<compile_context>
chip_gen: v7x
topology: tpu7x:2x2x1
jax: 0.10.2.dev20260603
libtpu: 0.0.44.dev20260713+nightly
codegen_flags: <defaults>
</compile_context>

<pallas_src>
import jax
import jax.numpy as jnp
import numpy as np
from jax import lax
from jax.experimental import pallas as pl
from jax.experimental.pallas import tpu as pltpu
from jax.experimental.pallas import tpu_sc as plsc

N = 10000
D = 128
H = D // 2
E = 320000

NC = 2
NS = 16

B = 128
E_PAD = 327680
PAD = E_PAD - E
R = E_PAD // B
NB = R // NS
NIT = NB // 4
N_PAD = 10112
ROWS_PER_TILE = N_PAD // NS


def _make_agg(with_counts):
  mesh = plsc.VectorSubcoreMesh(core_axis_name="c", subcore_axis_name="s")
  out_type = [jax.ShapeDtypeStruct((N_PAD, D), jnp.float32)]
  scratch = [
      pltpu.VMEM((NB, B), jnp.int32),
      pltpu.VMEM((NB, B), jnp.int32),
      pltpu.VMEM((B, H), jnp.float32),
      pltpu.VMEM((B, H), jnp.float32),
      pltpu.VMEM((B, H), jnp.float32),
      pltpu.VMEM((B, H), jnp.float32),
      pltpu.VMEM_SHARED((N_PAD, H), jnp.float32),
      pltpu.SemaphoreType.DMA,
      pltpu.SemaphoreType.DMA,
      pltpu.SemaphoreType.DMA,
      pltpu.SemaphoreType.DMA,
  ]
  if with_counts:
    out_type.append(jax.ShapeDtypeStruct((N_PAD, D), jnp.float32))
    scratch += [
        pltpu.VMEM((B, 16), jnp.float32),
        pltpu.VMEM((B, 16), jnp.float32),
        pltpu.VMEM_SHARED((N_PAD, 16), jnp.float32),
    ]

  def body(y2, src2, dst2, *refs):
    if with_counts:
      (p_out, c_out, sidx, didx, buf_a, buf_b, buf_c, buf_d, acc,
       sem_a, sem_b, sem_c, sem_d, ones_v, zer16, cnt) = refs
    else:
      (p_out, sidx, didx, buf_a, buf_b, buf_c, buf_d, acc,
       sem_a, sem_b, sem_c, sem_d) = refs
    ci = lax.axis_index("c")
    si = lax.axis_index("s")

    er0 = si * NB
    pltpu.sync_copy(src2.at[pl.ds(er0, NB)], sidx)
    pltpu.sync_copy(dst2.at[pl.ds(er0, NB)], didx)

    def dbl(i, _):
      r = i // (B // 16)
      c0 = (i % (B // 16)) * 16
      v = sidx[r, pl.ds(c0, 16)]
      sidx[r, pl.ds(c0, 16)] = v + v + ci
      return 0
    lax.fori_loop(0, NB * (B // 16), dbl, 0)

    table = y2

    def start_gather(b, buf, sem):
      pltpu.make_async_copy(table.at[sidx.at[b]], buf, sem).start()

    def wait_gather(b, buf, sem):
      pltpu.make_async_copy(table.at[sidx.at[b]], buf, sem).wait()

    def scatter(b, buf, parity):
      pltpu.sync_copy(buf, acc.at[didx.at[b]], add=True)
      if with_counts:
        @pl.when(ci == parity)
        def _():
          pltpu.sync_copy(ones_v, cnt.at[didx.at[b]], add=True)

    slots = ((buf_b, sem_b, 0), (buf_c, sem_c, 1),
             (buf_d, sem_d, 0), (buf_a, sem_a, 1))

    for j in range(3):
      start_gather(j, slots[j][0], slots[j][1])

    def zf(i, _):
      buf_a[i // (H // 16), pl.ds((i % (H // 16)) * 16, 16)] = (
          jnp.zeros((16,), jnp.float32))
      return 0
    lax.fori_loop(0, B * H // 16, zf, 0)
    r0 = si * ROWS_PER_TILE
    for k in range(ROWS_PER_TILE // B):
      pltpu.sync_copy(buf_a, acc.at[pl.ds(r0 + k * B, B)])
    rem = ROWS_PER_TILE % B
    if rem:
      pltpu.sync_copy(buf_a.at[pl.ds(0, rem)],
                      acc.at[pl.ds(r0 + (ROWS_PER_TILE // B) * B, rem)])

    if with_counts:
      def of(i, _):
        ones_v[i, pl.ds(0, 16)] = jnp.ones((16,), jnp.float32)
        zer16[i, pl.ds(0, 16)] = jnp.zeros((16,), jnp.float32)
        return 0
      lax.fori_loop(0, B, of, 0)
      for k in range(ROWS_PER_TILE // B):
        pltpu.sync_copy(zer16, cnt.at[pl.ds(r0 + k * B, B)])
      if rem:
        pltpu.sync_copy(zer16.at[pl.ds(0, rem)],
                        cnt.at[pl.ds(r0 + (ROWS_PER_TILE // B) * B, rem)])

    plsc.subcore_barrier()

    def it(i, _):
      b = 4 * i
      start_gather(b + 3, buf_a, sem_a)
      for j, (buf, sem, parity) in enumerate(slots):
        wait_gather(b + j, buf, sem)
        scatter(b + j, buf, parity)
        if j < 3:
          @pl.when(i < NIT - 1)
          def _():
            start_gather(b + 4 + j, buf, sem)
      return 0

    lax.fori_loop(0, NIT, it, 0)
    plsc.subcore_barrier()

    pltpu.sync_copy(acc.at[pl.ds(r0, ROWS_PER_TILE)],
                    p_out.at[pl.ds(r0, ROWS_PER_TILE), pl.ds(ci * H, H)])
    if with_counts:
      pltpu.sync_copy(cnt.at[pl.ds(r0, ROWS_PER_TILE)],
                      c_out.at[pl.ds(r0, ROWS_PER_TILE), pl.ds(ci * 16, 16)])

  return pl.kernel(
      body, out_type=out_type, mesh=mesh, scratch_types=scratch,
      compiler_params=pltpu.CompilerParams(use_tc_tiling_on_sc=False))


_agg_with_counts = _make_agg(True)
_agg_plain = _make_agg(False)

BM = 2000


def _pre(x, W_l):
  def body(x_ref, w_ref, o_ref):
    o_ref[...] = lax.dot_general(x_ref[...], w_ref[...],
                                 (((1,), (1,)), ((), ())),
                                 preferred_element_type=jnp.float32)
  return pl.pallas_call(
      body,
      grid=(N // BM,),
      in_specs=[pl.BlockSpec((BM, D), lambda i: (i, 0)),
                pl.BlockSpec((D, D), lambda i: (0, 0))],
      out_specs=pl.BlockSpec((BM, D), lambda i: (i, 0)),
      out_shape=jax.ShapeDtypeStruct((N, D), jnp.float32),
  )(x, W_l)


def _unpack_mean(p_ref, c_ref):
  cnt = c_ref[:, 0:1] + c_ref[:, 16:17]
  return p_ref[...] * (1.0 / jnp.maximum(cnt, 1.0))


def _post(p, cnts, b, x, W_r, relu):
  def body(p_ref, c_ref, b_ref, x_ref, w_ref, o_ref):
    r = _unpack_mean(p_ref, c_ref) + b_ref[...] + lax.dot_general(
        x_ref[...], w_ref[...], (((1,), (1,)), ((), ())),
        preferred_element_type=jnp.float32)
    o_ref[...] = jnp.maximum(r, 0.0) if relu else r
  return pl.pallas_call(
      body,
      grid=(N // BM,),
      in_specs=[
          pl.BlockSpec((BM, D), lambda i: (i, 0)),
          pl.BlockSpec((BM, D), lambda i: (i, 0)),
          pl.BlockSpec((1, D), lambda i: (0, 0)),
          pl.BlockSpec((BM, D), lambda i: (i, 0)),
          pl.BlockSpec((D, D), lambda i: (0, 0)),
      ],
      out_specs=pl.BlockSpec((BM, D), lambda i: (i, 0)),
      out_shape=jax.ShapeDtypeStruct((N, D), jnp.float32),
  )(p, cnts, b, x, W_r)


def _post_pre(p, cnts, b, x, W_r, W_ln):
  def body(p_ref, c_ref, b_ref, x_ref, w_ref, wl_ref, h_ref, y_ref):
    r = _unpack_mean(p_ref, c_ref) + b_ref[...] + lax.dot_general(
        x_ref[...], w_ref[...], (((1,), (1,)), ((), ())),
        preferred_element_type=jnp.float32)
    h = jnp.maximum(r, 0.0)
    h_ref[...] = h
    y_ref[...] = lax.dot_general(h, wl_ref[...], (((1,), (1,)), ((), ())),
                                 preferred_element_type=jnp.float32)
  return pl.pallas_call(
      body,
      grid=(N // BM,),
      in_specs=[
          pl.BlockSpec((BM, D), lambda i: (i, 0)),
          pl.BlockSpec((BM, D), lambda i: (i, 0)),
          pl.BlockSpec((1, D), lambda i: (0, 0)),
          pl.BlockSpec((BM, D), lambda i: (i, 0)),
          pl.BlockSpec((D, D), lambda i: (0, 0)),
          pl.BlockSpec((D, D), lambda i: (0, 0)),
      ],
      out_specs=[pl.BlockSpec((BM, D), lambda i: (i, 0)),
                 pl.BlockSpec((BM, D), lambda i: (i, 0))],
      out_shape=[jax.ShapeDtypeStruct((N, D), jnp.float32),
                 jax.ShapeDtypeStruct((N, D), jnp.float32)],
  )(p, cnts, b, x, W_r, W_ln)


def kernel(x, edge_index, W1_l, b1, W1_r, W2_l, b2, W2_r):
  ei = edge_index.astype(jnp.int32)
  pad_i = np.arange(PAD, dtype=np.int32)
  pad_src = jnp.asarray(((pad_i * 37) % N).reshape(PAD // B, B))
  pad_dst = jnp.asarray((N + pad_i % (N_PAD - N)).reshape(PAD // B, B))
  src2 = jnp.concatenate([ei[0].reshape(E // B, B), pad_src], axis=0)
  dst2 = jnp.concatenate([ei[1].reshape(E // B, B), pad_dst], axis=0)
  src2, dst2 = lax.optimization_barrier((src2, dst2))
  b1r = b1.reshape(1, D)
  b2r = b2.reshape(1, D)

  y1 = jnp.reshape(_pre(x, W1_l), (2 * N, H))
  p1, cnts = _agg_with_counts(y1, src2, dst2)
  h, y2 = _post_pre(p1, cnts, b1r, x, W1_r, W2_l)
  (p2,) = _agg_plain(jnp.reshape(y2, (2 * N, H)), src2, dst2)
  out = _post(p2, cnts, b2r, h, W2_r, relu=False)
  return out

# --- scband reference (transcript-rebuilt; emitter-appended) ---
"""Pipeline reference for scband-my-graph-model-38817914421629 (READ-ONLY COPY).

The authoritative reference and input builder live on the scoring server;
editing this copy changes nothing except your own understanding.
"""

import jax, jax.numpy as jnp
import numpy as np

N = 10000
E = 320000
D_IN = 128
D_HID = 128
D_OUT = 128


def _lin_init(key, out_f, in_f):
    s = 1.0 / np.sqrt(in_f)
    return jax.random.uniform(key, (out_f, in_f), minval=-s, maxval=s, dtype=jnp.float32)


def setup_inputs(seed: int = 0) -> dict:
    key = jax.random.key(seed)
    ks = jax.random.split(key, 8)
    x = jax.random.normal(ks[0], (N, D_IN), dtype=jnp.float32)
    edge_index = jax.random.randint(ks[1], (2, E), 0, N, dtype=jnp.int64)
    # SAGEConv layer 1 params (PyG: lin_l with bias applied to aggregated neighbors, lin_r no bias applied to root)
    W1_l = _lin_init(ks[2], D_HID, D_IN)
    b1 = jnp.zeros((D_HID,), dtype=jnp.float32)
    W1_r = _lin_init(ks[3], D_HID, D_IN)
    # SAGEConv layer 2 params
    W2_l = _lin_init(ks[4], D_OUT, D_HID)
    b2 = jnp.zeros((D_OUT,), dtype=jnp.float32)
    W2_r = _lin_init(ks[5], D_OUT, D_HID)
    return {"x": x, "edge_index": edge_index, "W1_l": W1_l, "b1": b1, "W1_r": W1_r, "W2_l": W2_l, "b2": b2, "W2_r": W2_r}


def _sage_conv(x, edge_index, W_l, b_l, W_r):
    src = edge_index[0]
    dst = edge_index[1]
    n = x.shape[0]
    msgs = jnp.take(x, src, axis=0)                      # gather x_j
    agg = jax.ops.segment_sum(msgs, dst, num_segments=n)  # scatter-add by dst
    cnt = jax.ops.segment_sum(jnp.ones((src.shape[0],), dtype=x.dtype), dst, num_segments=n)
    mean = agg / jnp.clip(cnt, 1.0, None)[:, None]        # mean aggregation
    return mean @ W_l.T + b_l + x @ W_r.T


def reference(x, edge_index, W1_l, b1, W1_r, W2_l, b2, W2_r):
    h = _sage_conv(x, edge_index, W1_l, b1, W1_r)
    h = jax.nn.relu(h)
    # dropout is identity at inference (training=False)
    out = _sage_conv(h, edge_index, W2_l, b2, W2_r)
    return out

if __name__ == "__main__":
    import jax
    _d = setup_inputs()
    print(jax.jit(kernel)(*tuple(_d.values())))

</pallas_src>

<mosaic_0001>
#map = affine_map<(d0, d1) -> (0, 0)>
module attributes {stable_mosaic.version = 14 : i64} {
  func.func @body(%arg0: i32, %arg1: i32, %arg2: memref<20000x64xf32, #tpu.memory_space<hbm>>, %arg3: memref<2560x128xi32, #tpu.memory_space<hbm>>, %arg4: memref<2560x128xi32, #tpu.memory_space<hbm>>, %arg5: memref<10112x128xf32, #tpu.memory_space<hbm>>, %arg6: memref<10112x128xf32, #tpu.memory_space<hbm>>, %arg7: memref<160x128xi32, #tpu.memory_space<vmem>>, %arg8: memref<160x128xi32, #tpu.memory_space<vmem>>, %arg9: memref<128x64xf32, #tpu.memory_space<vmem>>, %arg10: memref<128x64xf32, #tpu.memory_space<vmem>>, %arg11: memref<128x64xf32, #tpu.memory_space<vmem>>, %arg12: memref<128x64xf32, #tpu.memory_space<vmem>>, %arg13: memref<10112x64xf32, #tpu.memory_space<vmem_shared>>, %arg14: memref<!tpu.dma_semaphore, #tpu.memory_space<semaphore_mem>>, %arg15: memref<!tpu.dma_semaphore, #tpu.memory_space<semaphore_mem>>, %arg16: memref<!tpu.dma_semaphore, #tpu.memory_space<semaphore_mem>>, %arg17: memref<!tpu.dma_semaphore, #tpu.memory_space<semaphore_mem>>, %arg18: memref<128x16xf32, #tpu.memory_space<vmem>>, %arg19: memref<128x16xf32, #tpu.memory_space<vmem>>, %arg20: memref<10112x16xf32, #tpu.memory_space<vmem_shared>>) attributes {dimension_semantics = [#tpu.dimension_semantics<core_parallel>, #tpu.dimension_semantics<subcore_parallel>], iteration_bounds = array<i64: 2, 16>, scalar_prefetch = 0 : i64, scratch_operands = 14 : i64, tpu.core_type = #tpu.core_type<sc_vector_subcore>, window_params = [{transform_indices = #map}, {transform_indices = #map}, {transform_indices = #map}, {transform_indices = #map}, {transform_indices = #map}]} {
    %mul3A = arith.constant 160 : i32
    %mul3A_0 = arith.muli %arg1, %mul3A : i32
    "tpu.region"() ({
      %run_scoped3A = tpu.sem_alloc : memref<!tpu.dma_semaphore, #tpu.memory_space<semaphore_mem>>
      %dma_start3A_74 = arith.constant 0 : i32
      %dma_start3A_75 = tpu.memref_slice %arg3[%mul3A_0, %dma_start3A_74] : memref<2560x128xi32, #tpu.memory_space<hbm>> -> memref<160x128xi32, #tpu.memory_space<hbm>>
      %dma_start3A_76 = arith.constant 0 : i32
      %dma_start3A_77 = tpu.memref_slice %arg3[%mul3A_0, %dma_start3A_76] : memref<2560x128xi32, #tpu.memory_space<hbm>> -> memref<160x128xi32, #tpu.memory_space<hbm>>
      tpu.enqueue_dma source(%dma_start3A_77 : memref<160x128xi32, #tpu.memory_space<hbm>>) target(%arg7 : memref<160x128xi32, #tpu.memory_space<vmem>>) target_semaphore(%run_scoped3A : memref<!tpu.dma_semaphore, #tpu.memory_space<semaphore_mem>>)
      %dma_wait3A = arith.constant 0 : i32
      %dma_wait3A_78 = tpu.memref_slice %arg3[%mul3A_0, %dma_wait3A] : memref<2560x128xi32, #tpu.memory_space<hbm>> -> memref<160x128xi32, #tpu.memory_space<hbm>>
      %dma_wait3A_79 = arith.constant 0 : i32
      %dma_wait3A_80 = tpu.memref_slice %arg3[%mul3A_0, %dma_wait3A_79] : memref<2560x128xi32, #tpu.memory_space<hbm>> -> memref<160x128xi32, #tpu.memory_space<hbm>>
      tpu.wait_dma2 semaphore(%run_scoped3A : memref<!tpu.dma_semaphore, #tpu.memory_space<semaphore_mem>>) src(%dma_wait3A_80 : memref<160x128xi32, #tpu.memory_space<hbm>>) dst(%arg7 : memref<160x128xi32, #tpu.memory_space<vmem>>)
      tpu.yield
    }) : () -> ()
    "tpu.region"() ({
      %run_scoped3A = tpu.sem_alloc : memref<!tpu.dma_semaphore, #tpu.memory_space<semaphore_mem>>
      %dma_start3A_74 = arith.constant 0 : i32
      %dma_start3A_75 = tpu.memref_slice %arg4[%mul3A_0, %dma_start3A_74] : memref<2560x128xi32, #tpu.memory_space<hbm>> -> memref<160x128xi32, #tpu.memory_space<hbm>>
      %dma_start3A_76 = arith.constant 0 : i32
      %dma_start3A_77 = tpu.memref_slice %arg4[%mul3A_0, %dma_start3A_76] : memref<2560x128xi32, #tpu.memory_space<hbm>> -> memref<160x128xi32, #tpu.memory_space<hbm>>
      tpu.enqueue_dma source(%dma_start3A_77 : memref<160x128xi32, #tpu.memory_space<hbm>>) target(%arg8 : memref<160x128xi32, #tpu.memory_space<vmem>>) target_semaphore(%run_scoped3A : memref<!tpu.dma_semaphore, #tpu.memory_space<semaphore_mem>>)
      %dma_wait3A = arith.constant 0 : i32
      %dma_wait3A_78 = tpu.memref_slice %arg4[%mul3A_0, %dma_wait3A] : memref<2560x128xi32, #tpu.memory_space<hbm>> -> memref<160x128xi32, #tpu.memory_space<hbm>>
      %dma_wait3A_79 = arith.constant 0 : i32
      %dma_wait3A_80 = tpu.memref_slice %arg4[%mul3A_0, %dma_wait3A_79] : memref<2560x128xi32, #tpu.memory_space<hbm>> -> memref<160x128xi32, #tpu.memory_space<hbm>>
      tpu.wait_dma2 semaphore(%run_scoped3A : memref<!tpu.dma_semaphore, #tpu.memory_space<semaphore_mem>>) src(%dma_wait3A_80 : memref<160x128xi32, #tpu.memory_space<hbm>>) dst(%arg8 : memref<160x128xi32, #tpu.memory_space<vmem>>)
      tpu.yield
    }) : () -> ()
    %scan3A = arith.constant 0 : i32
    %scan3A_1 = arith.constant 0 : i32
    %scan3A_2 = arith.constant 1280 : i32
    %scan3A_3 = arith.addi %scan3A_1, %scan3A_2 : i32
    %scan3A_4 = arith.constant 1 : i32
    %scan3A_5 = scf.for %scan3A_74 = %scan3A_1 to %scan3A_3 step %scan3A_4 iter_args(%scan3A_75 = %scan3A) -> (i32)  : i32 {
      %jit3A = arith.constant 8 : i32
      %div3A = arith.divsi %scan3A_74, %jit3A : i32
      %sign3A = arith.constant 0 : i32
      %sign3A_76 = arith.cmpi sgt, %scan3A_74, %sign3A : i32
      %sign3A_77 = arith.extui %sign3A_76 : i1 to i32
      %sign3A_78 = arith.constant 0 : i32
      %sign3A_79 = arith.cmpi slt, %scan3A_74, %sign3A_78 : i32
      %sign3A_80 = arith.extui %sign3A_79 : i1 to i32
      %sign3A_81 = arith.subi %sign3A_77, %sign3A_80 : i32
      %sign3A_82 = arith.constant 0 : i32
      %sign3A_83 = arith.cmpi sgt, %jit3A, %sign3A_82 : i32
      %sign3A_84 = arith.extui %sign3A_83 : i1 to i32
      %sign3A_85 = arith.constant 0 : i32
      %sign3A_86 = arith.cmpi slt, %jit3A, %sign3A_85 : i32
      %sign3A_87 = arith.extui %sign3A_86 : i1 to i32
      %sign3A_88 = arith.subi %sign3A_84, %sign3A_87 : i32
      %ne3A = arith.cmpi ne, %sign3A_81, %sign3A_88 : i32
      %rem3A = arith.remsi %scan3A_74, %jit3A : i32
      %ne3A_89 = arith.constant 0 : i32
      %ne3A_90 = arith.cmpi ne, %rem3A, %ne3A_89 : i32
      %and3A = arith.andi %ne3A, %ne3A_90 : i1
      %sub3A = arith.constant 1 : i32
      %sub3A_91 = arith.subi %div3A, %sub3A : i32
      %select_n3A = arith.select %and3A, %sub3A_91, %div3A : i32
      %jit3A_92 = arith.constant 8 : i32
      %eq3A = arith.constant 0 : i32
      %eq3A_93 = arith.cmpi eq, %jit3A_92, %eq3A : i32
      %jit3A_94 = arith.constant 1 : i32
      %select_n3A_95 = arith.select %eq3A_93, %jit3A_94, %jit3A_92 : i32
      %rem3A_96 = arith.remsi %scan3A_74, %select_n3A_95 : i32
      %ne3A_97 = arith.constant 0 : i32
      %ne3A_98 = arith.cmpi ne, %rem3A_96, %ne3A_97 : i32
      %lt3A = arith.constant 0 : i32
      %lt3A_99 = arith.cmpi slt, %rem3A_96, %lt3A : i32
      %lt3A_100 = arith.constant 0 : i32
      %lt3A_101 = arith.cmpi slt, %select_n3A_95, %lt3A_100 : i32
      %ne3A_102 = arith.xori %lt3A_99, %lt3A_101 : i1
      %and3A_103 = arith.andi %ne3A_102, %ne3A_98 : i1
      %add3A_104 = arith.addi %rem3A_96, %select_n3A_95 : i32
      %select_n3A_105 = arith.select %and3A_103, %add3A_104, %rem3A_96 : i32
      %mul3A_106 = arith.constant 16 : i32
      %mul3A_107 = arith.muli %select_n3A_105, %mul3A_106 : i32
      %get3A = arith.index_cast %select_n3A : i32 to index
      %get3A_108 = arith.index_cast %mul3A_107 : i32 to index
      %get3A_109 = tpu.vector_load %arg7[%get3A, %get3A_108] {strides = array<i32>} : memref<160x128xi32, #tpu.memory_space<vmem>>, vector<1x16xi32>,
      %get3A_110 = vector.shape_cast %get3A_109 : vector<1x16xi32> to vector<16xi32>
      %add3A_111 = arith.addi %get3A_110, %get3A_110 : vector<16xi32>
      %add3A_112 = vector.broadcast %arg0 : i32 to vector<16xi32>
      %add3A_113 = arith.addi %add3A_111, %add3A_112 : vector<16xi32>
      %swap3A = arith.index_cast %select_n3A : i32 to index
      %swap3A_114 = arith.index_cast %mul3A_107 : i32 to index
      %swap3A_115 = tpu.vector_load %arg7[%swap3A, %swap3A_114] {strides = array<i32>} : memref<160x128xi32, #tpu.memory_space<vmem>>, vector<1x16xi32>,
      %swap3A_116 = vector.shape_cast %swap3A_115 : vector<1x16xi32> to vector<16xi32>
      %swap3A_117 = vector.shape_cast %add3A_113 : vector<16xi32> to vector<1x16xi32>
      tpu.vector_store %arg7[%swap3A, %swap3A_114], %swap3A_117 {strides = array<i32>} : memref<160x128xi32, #tpu.memory_space<vmem>>, vector<1x16xi32>,
      %scan3A_118 = arith.constant 0 : i32
      scf.yield %scan3A_118 : i32
    }
    %scan3A_6 = arith.constant 1280 : i32
    %dma_start3A = arith.constant 0 : i32
    %dma_start3A_7 = arith.constant 0 : i32
    %dma_start3A_8 = tpu.memref_slice %arg7[%dma_start3A, %dma_start3A_7] : memref<160x128xi32, #tpu.memory_space<vmem>> -> memref<1x128xi32, #tpu.memory_space<vmem>>
    %dma_start3A_9 = tpu.memref_squeeze %dma_start3A_8 : memref<1x128xi32, #tpu.memory_space<vmem>> -> memref<128xi32, #tpu.memory_space<vmem>>
    %dma_start3A_10 = arith.constant 0 : i32
    %dma_start3A_11 = arith.constant 0 : i32
    %dma_start3A_12 = tpu.memref_slice %arg2[%dma_start3A_10, %dma_start3A_11] : memref<20000x64xf32, #tpu.memory_space<hbm>> -> memref<20000x64xf32, #tpu.memory_space<hbm>>
    tpu.enqueue_indirect_dma source(%dma_start3A_12 : memref<20000x64xf32, #tpu.memory_space<hbm>>) target(%arg10 : memref<128x64xf32, #tpu.memory_space<vmem>>) offsets(%dma_start3A_9 : memref<128xi32, #tpu.memory_space<vmem>>) semaphore(%arg15 : memref<!tpu.dma_semaphore, #tpu.memory_space<semaphore_mem>>)
    %dma_start3A_13 = arith.constant 1 : i32
    %dma_start3A_14 = arith.constant 0 : i32
    %dma_start3A_15 = tpu.memref_slice %arg7[%dma_start3A_13, %dma_start3A_14] : memref<160x128xi32, #tpu.memory_space<vmem>> -> memref<1x128xi32, #tpu.memory_space<vmem>>
    %dma_start3A_16 = tpu.memref_squeeze %dma_start3A_15 : memref<1x128xi32, #tpu.memory_space<vmem>> -> memref<128xi32, #tpu.memory_space<vmem>>
    %dma_start3A_17 = arith.constant 0 : i32
    %dma_start3A_18 = arith.constant 0 : i32
    %dma_start3A_19 = tpu.memref_slice %arg2[%dma_start3A_17, %dma_start3A_18] : memref<20000x64xf32, #tpu.memory_space<hbm>> -> memref<20000x64xf32, #tpu.memory_space<hbm>>
    tpu.enqueue_indirect_dma source(%dma_start3A_19 : memref<20000x64xf32, #tpu.memory_space<hbm>>) target(%arg11 : memref<128x64xf32, #tpu.memory_space<vmem>>) offsets(%dma_start3A_16 : memref<128xi32, #tpu.memory_space<vmem>>) semaphore(%arg16 : memref<!tpu.dma_semaphore, #tpu.memory_space<semaphore_mem>>)
    %dma_start3A_20 = arith.constant 2 : i32
    %dma_start3A_21 = arith.constant 0 : i32
    %dma_start3A_22 = tpu.memref_slice %arg7[%dma_start3A_20, %dma_start3A_21] : memref<160x128xi32, #tpu.memory_space<vmem>> -> memref<1x128xi32, #tpu.memory_space<vmem>>
    %dma_start3A_23 = tpu.memref_squeeze %dma_start3A_22 : memref<1x128xi32, #tpu.memory_space<vmem>> -> memref<128xi32, #tpu.memory_space<vmem>>
    %dma_start3A_24 = arith.constant 0 : i32
    %dma_start3A_25 = arith.constant 0 : i32
    %dma_start3A_26 = tpu.memref_slice %arg2[%dma_start3A_24, %dma_start3A_25] : memref<20000x64xf32, #tpu.memory_space<hbm>> -> memref<20000x64xf32, #tpu.memory_space<hbm>>
    tpu.enqueue_indirect_dma source(%dma_start3A_26 : memref<20000x64xf32, #tpu.memory_space<hbm>>) target(%arg12 : memref<128x64xf32, #tpu.memory_space<vmem>>) offsets(%dma_start3A_23 : memref<128xi32, #tpu.memory_space<vmem>>) semaphore(%arg17 : memref<!tpu.dma_semaphore, #tpu.memory_space<semaphore_mem>>)
    %scan3A_27 = arith.constant 0 : i32
    %scan3A_28 = arith.constant 0 : i32
    %scan3A_29 = arith.constant 512 : i32
    %scan3A_30 = arith.addi %scan3A_28, %scan3A_29 : i32
    %scan3A_31 = arith.constant 1 : i32
    %scan3A_32 = scf.for %scan3A_74 = %scan3A_28 to %scan3A_30 step %scan3A_31 iter_args(%scan3A_75 = %scan3A_27) -> (i32)  : i32 {
      %broadcast_in_dim3A = arith.constant 0.000000e+00 : f32
      %broadcast_in_dim3A_76 = vector.broadcast %broadcast_in_dim3A : f32 to vector<16xf32>
      %jit3A = arith.constant 4 : i32
      %div3A = arith.divsi %scan3A_74, %jit3A : i32
      %sign3A = arith.constant 0 : i32
      %sign3A_77 = arith.cmpi sgt, %scan3A_74, %sign3A : i32
      %sign3A_78 = arith.extui %sign3A_77 : i1 to i32
      %sign3A_79 = arith.constant 0 : i32
      %sign3A_80 = arith.cmpi slt, %scan3A_74, %sign3A_79 : i32
      %sign3A_81 = arith.extui %sign3A_80 : i1 to i32
      %sign3A_82 = arith.subi %sign3A_78, %sign3A_81 : i32
      %sign3A_83 = arith.constant 0 : i32
      %sign3A_84 = arith.cmpi sgt, %jit3A, %sign3A_83 : i32
      %sign3A_85 = arith.extui %sign3A_84 : i1 to i32
      %sign3A_86 = arith.constant 0 : i32
      %sign3A_87 = arith.cmpi slt, %jit3A, %sign3A_86 : i32
      %sign3A_88 = arith.extui %sign3A_87 : i1 to i32
      %sign3A_89 = arith.subi %sign3A_85, %sign3A_88 : i32
      %ne3A = arith.cmpi ne, %sign3A_82, %sign3A_89 : i32
      %rem3A = arith.remsi %scan3A_74, %jit3A : i32
      %ne3A_90 = arith.constant 0 : i32
      %ne3A_91 = arith.cmpi ne, %rem3A, %ne3A_90 : i32
      %and3A = arith.andi %ne3A, %ne3A_91 : i1
      %sub3A = arith.constant 1 : i32
      %sub3A_92 = arith.subi %div3A, %sub3A : i32
      %select_n3A = arith.select %and3A, %sub3A_92, %div3A : i32
      %jit3A_93 = arith.constant 4 : i32
      %eq3A = arith.constant 0 : i32
      %eq3A_94 = arith.cmpi eq, %jit3A_93, %eq3A : i32
      %jit3A_95 = arith.constant 1 : i32
      %select_n3A_96 = arith.select %eq3A_94, %jit3A_95, %jit3A_93 : i32
      %rem3A_97 = arith.remsi %scan3A_74, %select_n3A_96 : i32
      %ne3A_98 = arith.constant 0 : i32
      %ne3A_99 = arith.cmpi ne, %rem3A_97, %ne3A_98 : i32
      %lt3A = arith.constant 0 : i32
      %lt3A_100 = arith.cmpi slt, %rem3A_97, %lt3A : i32
      %lt3A_101 = arith.constant 0 : i32
      %lt3A_102 = arith.cmpi slt, %select_n3A_96, %lt3A_101 : i32
      %ne3A_103 = arith.xori %lt3A_100, %lt3A_102 : i1
      %and3A_104 = arith.andi %ne3A_103, %ne3A_99 : i1
      %add3A_105 = arith.addi %rem3A_97, %select_n3A_96 : i32
      %select_n3A_106 = arith.select %and3A_104, %add3A_105, %rem3A_97 : i32
      %mul3A_107 = arith.constant 16 : i32
      %mul3A_108 = arith.muli %select_n3A_106, %mul3A_107 : i32
      %swap3A = arith.index_cast %select_n3A : i32 to index
      %swap3A_109 = arith.index_cast %mul3A_108 : i32 to index
      %swap3A_110 = tpu.vector_load %arg9[%swap3A, %swap3A_109] {strides = array<i32>} : memref<128x64xf32, #tpu.memory_space<vmem>>, vector<1x16xf32>,
      %swap3A_111 = vector.shape_cast %swap3A_110 : vector<1x16xf32> to vector<16xf32>
      %swap3A_112 = vector.shape_cast %broadcast_in_dim3A_76 : vector<16xf32> to vector<1x16xf32>
      tpu.vector_store %arg9[%swap3A, %swap3A_109], %swap3A_112 {strides = array<i32>} : memref<128x64xf32, #tpu.memory_space<vmem>>, vector<1x16xf32>,
      %scan3A_113 = arith.constant 0 : i32
      scf.yield %scan3A_113 : i32
    }
    %scan3A_33 = arith.constant 512 : i32
    %mul3A_34 = arith.constant 632 : i32
    %mul3A_35 = arith.muli %arg1, %mul3A_34 : i32
    %add3A = arith.constant 0 : i32
    %add3A_36 = arith.addi %mul3A_35, %add3A : i32
    "tpu.region"() ({
      %run_scoped3A = tpu.sem_alloc : memref<!tpu.dma_semaphore, #tpu.memory_space<semaphore_mem>>
      %dma_start3A_74 = arith.constant 0 : i32
      %dma_start3A_75 = tpu.memref_slice %arg13[%add3A_36, %dma_start3A_74] : memref<10112x64xf32, #tpu.memory_space<vmem_shared>> -> memref<128x64xf32, #tpu.memory_space<vmem_shared>>
      %dma_start3A_76 = arith.constant 0 : i32
      %dma_start3A_77 = tpu.memref_slice %arg13[%add3A_36, %dma_start3A_76] : memref<10112x64xf32, #tpu.memory_space<vmem_shared>> -> memref<128x64xf32, #tpu.memory_space<vmem_shared>>
      tpu.enqueue_dma source(%arg9 : memref<128x64xf32, #tpu.memory_space<vmem>>) target(%dma_start3A_77 : memref<128x64xf32, #tpu.memory_space<vmem_shared>>) target_semaphore(%run_scoped3A : memref<!tpu.dma_semaphore, #tpu.memory_space<semaphore_mem>>)
      %dma_wait3A = arith.constant 0 : i32
      %dma_wait3A_78 = tpu.memref_slice %arg13[%add3A_36, %dma_wait3A] : memref<10112x64xf32, #tpu.memory_space<vmem_shared>> -> memref<128x64xf32, #tpu.memory_space<vmem_shared>>
      %dma_wait3A_79 = arith.constant 0 : i32
      %dma_wait3A_80 = tpu.memref_slice %arg13[%add3A_36, %dma_wait3A_79] : memref<10112x64xf32, #tpu.memory_space<vmem_shared>> -> memref<128x64xf32, #tpu.memory_space<vmem_shared>>
      tpu.wait_dma2 semaphore(%run_scoped3A : memref<!tpu.dma_semaphore, #tpu.memory_space<semaphore_mem>>) src(%arg9 : memref<128x64xf32, #tpu.memory_space<vmem>>) dst(%dma_wait3A_80 : memref<128x64xf32, #tpu.memory_space<vmem_shared>>)
      tpu.yield
    }) : () -> ()
    %add3A_37 = arith.constant 128 : i32
    %add3A_38 = arith.addi %mul3A_35, %add3A_37 : i32
    "tpu.region"() ({
      %run_scoped3A = tpu.sem_alloc : memref<!tpu.dma_semaphore, #tpu.memory_space<semaphore_mem>>
      %dma_start3A_74 = arith.constant 0 : i32
      %dma_start3A_75 = tpu.memref_slice %arg13[%add3A_38, %dma_start3A_74] : memref<10112x64xf32, #tpu.memory_space<vmem_shared>> -> memref<128x64xf32, #tpu.memory_space<vmem_shared>>
      %dma_start3A_76 = arith.constant 0 : i32
      %dma_start3A_77 = tpu.memref_slice %arg13[%add3A_38, %dma_start3A_76] : memref<10112x64xf32, #tpu.memory_space<vmem_shared>> -> memref<128x64xf32, #tpu.memory_space<vmem_shared>>
      tpu.enqueue_dma source(%arg9 : memref<128x64xf32, #tpu.memory_space<vmem>>) target(%dma_start3A_77 : memref<128x64xf32, #tpu.memory_space<vmem_shared>>) target_semaphore(%run_scoped3A : memref<!tpu.dma_semaphore, #tpu.memory_space<semaphore_mem>>)
      %dma_wait3A = arith.constant 0 : i32
      %dma_wait3A_78 = tpu.memref_slice %arg13[%add3A_38, %dma_wait3A] : memref<10112x64xf32, #tpu.memory_space<vmem_shared>> -> memref<128x64xf32, #tpu.memory_space<vmem_shared>>
      %dma_wait3A_79 = arith.constant 0 : i32
      %dma_wait3A_80 = tpu.memref_slice %arg13[%add3A_38, %dma_wait3A_79] : memref<10112x64xf32, #tpu.memory_space<vmem_shared>> -> memref<128x64xf32, #tpu.memory_space<vmem_shared>>
      tpu.wait_dma2 semaphore(%run_scoped3A : memref<!tpu.dma_semaphore, #tpu.memory_space<semaphore_mem>>) src(%arg9 : memref<128x64xf32, #tpu.memory_space<vmem>>) dst(%dma_wait3A_80 : memref<128x64xf32, #tpu.memory_space<vmem_shared>>)
      tpu.yield
    }) : () -> ()
    %add3A_39 = arith.constant 256 : i32
    %add3A_40 = arith.addi %mul3A_35, %add3A_39 : i32
    "tpu.region"() ({
      %run_scoped3A = tpu.sem_alloc : memref<!tpu.dma_semaphore, #tpu.memory_space<semaphore_mem>>
      %dma_start3A_74 = arith.constant 0 : i32
      %dma_start3A_75 = tpu.memref_slice %arg13[%add3A_40, %dma_start3A_74] : memref<10112x64xf32, #tpu.memory_space<vmem_shared>> -> memref<128x64xf32, #tpu.memory_space<vmem_shared>>
      %dma_start3A_76 = arith.constant 0 : i32
      %dma_start3A_77 = tpu.memref_slice %arg13[%add3A_40, %dma_start3A_76] : memref<10112x64xf32, #tpu.memory_space<vmem_shared>> -> memref<128x64xf32, #tpu.memory_space<vmem_shared>>
      tpu.enqueue_dma source(%arg9 : memref<128x64xf32, #tpu.memory_space<vmem>>) target(%dma_start3A_77 : memref<128x64xf32, #tpu.memory_space<vmem_shared>>) target_semaphore(%run_scoped3A : memref<!tpu.dma_semaphore, #tpu.memory_space<semaphore_mem>>)
      %dma_wait3A = arith.constant 0 : i32
      %dma_wait3A_78 = tpu.memref_slice %arg13[%add3A_40, %dma_wait3A] : memref<10112x64xf32, #tpu.memory_space<vmem_shared>> -> memref<128x64xf32, #tpu.memory_space<vmem_shared>>
      %dma_wait3A_79 = arith.constant 0 : i32
      %dma_wait3A_80 = tpu.memref_slice %arg13[%add3A_40, %dma_wait3A_79] : memref<10112x64xf32, #tpu.memory_space<vmem_shared>> -> memref<128x64xf32, #tpu.memory_space<vmem_shared>>
      tpu.wait_dma2 semaphore(%run_scoped3A : memref<!tpu.dma_semaphore, #tpu.memory_space<semaphore_mem>>) src(%arg9 : memref<128x64xf32, #tpu.memory_space<vmem>>) dst(%dma_wait3A_80 : memref<128x64xf32, #tpu.memory_space<vmem_shared>>)
      tpu.yield
    }) : () -> ()
    %add3A_41 = arith.constant 384 : i32
    %add3A_42 = arith.addi %mul3A_35, %add3A_41 : i32
    "tpu.region"() ({
      %run_scoped3A = tpu.sem_alloc : memref<!tpu.dma_semaphore, #tpu.memory_space<semaphore_mem>>
      %dma_start3A_74 = arith.constant 0 : i32
      %dma_start3A_75 = tpu.memref_slice %arg13[%add3A_42, %dma_start3A_74] : memref<10112x64xf32, #tpu.memory_space<vmem_shared>> -> memref<128x64xf32, #tpu.memory_space<vmem_shared>>
      %dma_start3A_76 = arith.constant 0 : i32
      %dma_start3A_77 = tpu.memref_slice %arg13[%add3A_42, %dma_start3A_76] : memref<10112x64xf32, #tpu.memory_space<vmem_shared>> -> memref<128x64xf32, #tpu.memory_space<vmem_shared>>
      tpu.enqueue_dma source(%arg9 : memref<128x64xf32, #tpu.memory_space<vmem>>) target(%dma_start3A_77 : memref<128x64xf32, #tpu.memory_space<vmem_shared>>) target_semaphore(%run_scoped3A : memref<!tpu.dma_semaphore, #tpu.memory_space<semaphore_mem>>)
      %dma_wait3A = arith.constant 0 : i32
      %dma_wait3A_78 = tpu.memref_slice %arg13[%add3A_42, %dma_wait3A] : memref<10112x64xf32, #tpu.memory_space<vmem_shared>> -> memref<128x64xf32, #tpu.memory_space<vmem_shared>>
      %dma_wait3A_79 = arith.constant 0 : i32
      %dma_wait3A_80 = tpu.memref_slice %arg13[%add3A_42, %dma_wait3A_79] : memref<10112x64xf32, #tpu.memory_space<vmem_shared>> -> memref<128x64xf32, #tpu.memory_space<vmem_shared>>
      tpu.wait_dma2 semaphore(%run_scoped3A : memref<!tpu.dma_semaphore, #tpu.memory_space<semaphore_mem>>) src(%arg9 : memref<128x64xf32, #tpu.memory_space<vmem>>) dst(%dma_wait3A_80 : memref<128x64xf32, #tpu.memory_space<vmem_shared>>)
      tpu.yield
    }) : () -> ()
    %add3A_43 = arith.constant 512 : i32
    %add3A_44 = arith.addi %mul3A_35, %add3A_43 : i32
    "tpu.region"() ({
      %run_scoped3A = tpu.sem_alloc : memref<!tpu.dma_semaphore, #tpu.memory_space<semaphore_mem>>
      %dma_start3A_74 = arith.constant 0 : i32
      %dma_start3A_75 = arith.constant 0 : i32
      %dma_start3A_76 = tpu.memref_slice %arg9[%dma_start3A_74, %dma_start3A_75] : memref<128x64xf32, #tpu.memory_space<vmem>> -> memref<120x64xf32, #tpu.memory_space<vmem>>
      %dma_start3A_77 = arith.constant 0 : i32
      %dma_start3A_78 = tpu.memref_slice %arg13[%add3A_44, %dma_start3A_77] : memref<10112x64xf32, #tpu.memory_space<vmem_shared>> -> memref<120x64xf32, #tpu.memory_space<vmem_shared>>
      %dma_start3A_79 = arith.constant 0 : i32
      %dma_start3A_80 = tpu.memref_slice %arg13[%add3A_44, %dma_start3A_79] : memref<10112x64xf32, #tpu.memory_space<vmem_shared>> -> memref<120x64xf32, #tpu.memory_space<vmem_shared>>
      %dma_start3A_81 = arith.constant 0 : i32
      %dma_start3A_82 = arith.constant 0 : i32
      %dma_start3A_83 = tpu.memref_slice %arg9[%dma_start3A_81, %dma_start3A_82] : memref<128x64xf32, #tpu.memory_space<vmem>> -> memref<120x64xf32, #tpu.memory_space<vmem>>
      tpu.enqueue_dma source(%dma_start3A_83 : memref<120x64xf32, #tpu.memory_space<vmem>>) target(%dma_start3A_80 : memref<120x64xf32, #tpu.memory_space<vmem_shared>>) target_semaphore(%run_scoped3A : memref<!tpu.dma_semaphore, #tpu.memory_space<semaphore_mem>>)
      %dma_wait3A = arith.constant 0 : i32
      %dma_wait3A_84 = arith.constant 0 : i32
      %dma_wait3A_85 = tpu.memref_slice %arg9[%dma_wait3A, %dma_wait3A_84] : memref<128x64xf32, #tpu.memory_space<vmem>> -> memref<120x64xf32, #tpu.memory_space<vmem>>
      %dma_wait3A_86 = arith.constant 0 : i32
      %dma_wait3A_87 = tpu.memref_slice %arg13[%add3A_44, %dma_wait3A_86] : memref<10112x64xf32, #tpu.memory_space<vmem_shared>> -> memref<120x64xf32, #tpu.memory_space<vmem_shared>>
      %dma_wait3A_88 = arith.constant 0 : i32
      %dma_wait3A_89 = tpu.memref_slice %arg13[%add3A_44, %dma_wait3A_88] : memref<10112x64xf32, #tpu.memory_space<vmem_shared>> -> memref<120x64xf32, #tpu.memory_space<vmem_shared>>
      %dma_wait3A_90 = arith.constant 0 : i32
      %dma_wait3A_91 = arith.constant 0 : i32
      %dma_wait3A_92 = tpu.memref_slice %arg9[%dma_wait3A_90, %dma_wait3A_91] : memref<128x64xf32, #tpu.memory_space<vmem>> -> memref<120x64xf32, #tpu.memory_space<vmem>>
      tpu.wait_dma2 semaphore(%run_scoped3A : memref<!tpu.dma_semaphore, #tpu.memory_space<semaphore_mem>>) src(%dma_wait3A_92 : memref<120x64xf32, #tpu.memory_space<vmem>>) dst(%dma_wait3A_89 : memref<120x64xf32, #tpu.memory_space<vmem_shared>>)
      tpu.yield
    }) : () -> ()
    %scan3A_45 = arith.constant 0 : i32
    %scan3A_46 = arith.constant 0 : i32
    %scan3A_47 = arith.constant 128 : i32
    %scan3A_48 = arith.addi %scan3A_46, %scan3A_47 : i32
    %scan3A_49 = arith.constant 1 : i32
    %scan3A_50 = scf.for %scan3A_74 = %scan3A_46 to %scan3A_48 step %scan3A_49 iter_args(%scan3A_75 = %scan3A_45) -> (i32)  : i32 {
      %broadcast_in_dim3A = arith.constant 1.000000e+00 : f32
      %broadcast_in_dim3A_76 = vector.broadcast %broadcast_in_dim3A : f32 to vector<16xf32>
      %swap3A = arith.index_cast %scan3A_74 : i32 to index
      %swap3A_77 = arith.constant 0 : index
      %swap3A_78 = tpu.vector_load %arg18[%swap3A, %swap3A_77] {strides = array<i32>} : memref<128x16xf32, #tpu.memory_space<vmem>>, vector<1x16xf32>,
      %swap3A_79 = vector.shape_cast %swap3A_78 : vector<1x16xf32> to vector<16xf32>
      %swap3A_80 = vector.shape_cast %broadcast_in_dim3A_76 : vector<16xf32> to vector<1x16xf32>
      tpu.vector_store %arg18[%swap3A, %swap3A_77], %swap3A_80 {strides = array<i32>} : memref<128x16xf32, #tpu.memory_space<vmem>>, vector<1x16xf32>,
      %broadcast_in_dim3A_81 = arith.constant 0.000000e+00 : f32
      %broadcast_in_dim3A_82 = vector.broadcast %broadcast_in_dim3A_81 : f32 to vector<16xf32>
      %swap3A_83 = arith.index_cast %scan3A_74 : i32 to index
      %swap3A_84 = arith.constant 0 : index
      %swap3A_85 = tpu.vector_load %arg19[%swap3A_83, %swap3A_84] {strides = array<i32>} : memref<128x16xf32, #tpu.memory_space<vmem>>, vector<1x16xf32>,
      %swap3A_86 = vector.shape_cast %swap3A_85 : vector<1x16xf32> to vector<16xf32>
      %swap3A_87 = vector.shape_cast %broadcast_in_dim3A_82 : vector<16xf32> to vector<1x16xf32>
      tpu.vector_store %arg19[%swap3A_83, %swap3A_84], %swap3A_87 {strides = array<i32>} : memref<128x16xf32, #tpu.memory_space<vmem>>, vector<1x16xf32>,
      %scan3A_88 = arith.constant 0 : i32
      scf.yield %scan3A_88 : i32
    }
    %scan3A_51 = arith.constant 128 : i32
    %add3A_52 = arith.constant 0 : i32
    %add3A_53 = arith.addi %mul3A_35, %add3A_52 : i32
    "tpu.region"() ({
      %run_scoped3A = tpu.sem_alloc : memref<!tpu.dma_semaphore, #tpu.memory_space<semaphore_mem>>
      %dma_start3A_74 = arith.constant 0 : i32
      %dma_start3A_75 = tpu.memref_slice %arg20[%add3A_53, %dma_start3A_74] : memref<10112x16xf32, #tpu.memory_space<vmem_shared>> -> memref<128x16xf32, #tpu.memory_space<vmem_shared>>
      %dma_start3A_76 = arith.constant 0 : i32
      %dma_start3A_77 = tpu.memref_slice %arg20[%add3A_53, %dma_start3A_76] : memref<10112x16xf32, #tpu.memory_space<vmem_shared>> -> memref<128x16xf32, #tpu.memory_space<vmem_shared>>
      tpu.enqueue_dma source(%arg19 : memref<128x16xf32, #tpu.memory_space<vmem>>) target(%dma_start3A_77 : memref<128x16xf32, #tpu.memory_space<vmem_shared>>) target_semaphore(%run_scoped3A : memref<!tpu.dma_semaphore, #tpu.memory_space<semaphore_mem>>)
      %dma_wait3A = arith.constant 0 : i32
      %dma_wait3A_78 = tpu.memref_slice %arg20[%add3A_53, %dma_wait3A] : memref<10112x16xf32, #tpu.memory_space<vmem_shared>> -> memref<128x16xf32, #tpu.memory_space<vmem_shared>>
      %dma_wait3A_79 = arith.constant 0 : i32
      %dma_wait3A_80 = tpu.memref_slice %arg20[%add3A_53, %dma_wait3A_79] : memref<10112x16xf32, #tpu.memory_space<vmem_shared>> -> memref<128x16xf32, #tpu.memory_space<vmem_shared>>
      tpu.wait_dma2 semaphore(%run_scoped3A : memref<!tpu.dma_semaphore, #tpu.memory_space<semaphore_mem>>) src(%arg19 : memref<128x16xf32, #tpu.memory_space<vmem>>) dst(%dma_wait3A_80 : memref<128x16xf32, #tpu.memory_space<vmem_shared>>)
      tpu.yield
    }) : () -> ()
    %add3A_54 = arith.constant 128 : i32
    %add3A_55 = arith.addi %mul3A_35, %add3A_54 : i32
    "tpu.region"() ({
      %run_scoped3A = tpu.sem_alloc : memref<!tpu.dma_semaphore, #tpu.memory_space<semaphore_mem>>
      %dma_start3A_74 = arith.constant 0 : i32
      %dma_start3A_75 = tpu.memref_slice %arg20[%add3A_55, %dma_start3A_74] : memref<10112x16xf32, #tpu.memory_space<vmem_shared>> -> memref<128x16xf32, #tpu.memory_space<vmem_shared>>
      %dma_start3A_76 = arith.constant 0 : i32
      %dma_start3A_77 = tpu.memref_slice %arg20[%add3A_55, %dma_start3A_76] : memref<10112x16xf32, #tpu.memory_space<vmem_shared>> -> memref<128x16xf32, #tpu.memory_space<vmem_shared>>
      tpu.enqueue_dma source(%arg19 : memref<128x16xf32, #tpu.memory_space<vmem>>) target(%dma_start3A_77 : memref<128x16xf32, #tpu.memory_space<vmem_shared>>) target_semaphore(%run_scoped3A : memref<!tpu.dma_semaphore, #tpu.memory_space<semaphore_mem>>)
      %dma_wait3A = arith.constant 0 : i32
      %dma_wait3A_78 = tpu.memref_slice %arg20[%add3A_55, %dma_wait3A] : memref<10112x16xf32, #tpu.memory_space<vmem_shared>> -> memref<128x16xf32, #tpu.memory_space<vmem_shared>>
      %dma_wait3A_79 = arith.constant 0 : i32
      %dma_wait3A_80 = tpu.memref_slice %arg20[%add3A_55, %dma_wait3A_79] : memref<10112x16xf32, #tpu.memory_space<vmem_shared>> -> memref<128x16xf32, #tpu.memory_space<vmem_shared>>
      tpu.wait_dma2 semaphore(%run_scoped3A : memref<!tpu.dma_semaphore, #tpu.memory_space<semaphore_mem>>) src(%arg19 : memref<128x16xf32, #tpu.memory_space<vmem>>) dst(%dma_wait3A_80 : memref<128x16xf32, #tpu.memory_space<vmem_shared>>)
      tpu.yield
    }) : () -> ()
    %add3A_56 = arith.constant 256 : i32
    %add3A_57 = arith.addi %mul3A_35, %add3A_56 : i32
    "tpu.region"() ({
      %run_scoped3A = tpu.sem_alloc : memref<!tpu.dma_semaphore, #tpu.memory_space<semaphore_mem>>
      %dma_start3A_74 = arith.constant 0 : i32
      %dma_start3A_75 = tpu.memref_slice %arg20[%add3A_57, %dma_start3A_74] : memref<10112x16xf32, #tpu.memory_space<vmem_shared>> -> memref<128x16xf32, #tpu.memory_space<vmem_shared>>
      %dma_start3A_76 = arith.constant 0 : i32
      %dma_start3A_77 = tpu.memref_slice %arg20[%add3A_57, %dma_start3A_76] : memref<10112x16xf32, #tpu.memory_space<vmem_shared>> -> memref<128x16xf32, #tpu.memory_space<vmem_shared>>
      tpu.enqueue_dma source(%arg19 : memref<128x16xf32, #tpu.memory_space<vmem>>) target(%dma_start3A_77 : memref<128x16xf32, #tpu.memory_space<vmem_shared>>) target_semaphore(%run_scoped3A : memref<!tpu.dma_semaphore, #tpu.memory_space<semaphore_mem>>)
      %dma_wait3A = arith.constant 0 : i32
      %dma_wait3A_78 = tpu.memref_slice %arg20[%add3A_57, %dma_wait3A] : memref<10112x16xf32, #tpu.memory_space<vmem_shared>> -> memref<128x16xf32, #tpu.memory_space<vmem_shared>>
      %dma_wait3A_79 = arith.constant 0 : i32
      %dma_wait3A_80 = tpu.memref_slice %arg20[%add3A_57, %dma_wait3A_79] : memref<10112x16xf32, #tpu.memory_space<vmem_shared>> -> memref<128x16xf32, #tpu.memory_space<vmem_shared>>
      tpu.wait_dma2 semaphore(%run_scoped3A : memref<!tpu.dma_semaphore, #tpu.memory_space<semaphore_mem>>) src(%arg19 : memref<128x16xf32, #tpu.memory_space<vmem>>) dst(%dma_wait3A_80 : memref<128x16xf32, #tpu.memory_space<vmem_shared>>)
      tpu.yield
    }) : () -> ()
    %add3A_58 = arith.constant 384 : i32
    %add3A_59 = arith.addi %mul3A_35, %add3A_58 : i32
    "tpu.region"() ({
      %run_scoped3A = tpu.sem_alloc : memref<!tpu.dma_semaphore, #tpu.memory_space<semaphore_mem>>
      %dma_start3A_74 = arith.constant 0 : i32
      %dma_start3A_75 = tpu.memref_slice %arg20[%add3A_59, %dma_start3A_74] : memref<10112x16xf32, #tpu.memory_space<vmem_shared>> -> memref<128x16xf32, #tpu.memory_space<vmem_shared>>
      %dma_start3A_76 = arith.constant 0 : i32
      %dma_start3A_77 = tpu.memref_slice %arg20[%add3A_59, %dma_start3A_76] : memref<10112x16xf32, #tpu.memory_space<vmem_shared>> -> memref<128x16xf32, #tpu.memory_space<vmem_shared>>
      tpu.enqueue_dma source(%arg19 : memref<128x16xf32, #tpu.memory_space<vmem>>) target(%dma_start3A_77 : memref<128x16xf32, #tpu.memory_space<vmem_shared>>) target_semaphore(%run_scoped3A : memref<!tpu.dma_semaphore, #tpu.memory_space<semaphore_mem>>)
      %dma_wait3A = arith.constant 0 : i32
      %dma_wait3A_78 = tpu.memref_slice %arg20[%add3A_59, %dma_wait3A] : memref<10112x16xf32, #tpu.memory_space<vmem_shared>> -> memref<128x16xf32, #tpu.memory_space<vmem_shared>>
      %dma_wait3A_79 = arith.constant 0 : i32
      %dma_wait3A_80 = tpu.memref_slice %arg20[%add3A_59, %dma_wait3A_79] : memref<10112x16xf32, #tpu.memory_space<vmem_shared>> -> memref<128x16xf32, #tpu.memory_space<vmem_shared>>
      tpu.wait_dma2 semaphore(%run_scoped3A : memref<!tpu.dma_semaphore, #tpu.memory_space<semaphore_mem>>) src(%arg19 : memref<128x16xf32, #tpu.memory_space<vmem>>) dst(%dma_wait3A_80 : memref<128x16xf32, #tpu.memory_space<vmem_shared>>)
      tpu.yield
    }) : () -> ()
    %add3A_60 = arith.constant 512 : i32
    %add3A_61 = arith.addi %mul3A_35, %add3A_60 : i32
    "tpu.region"() ({
      %run_scoped3A = tpu.sem_alloc : memref<!tpu.dma_semaphore, #tpu.memory_space<semaphore_mem>>
      %dma_start3A_74 = arith.constant 0 : i32
      %dma_start3A_75 = arith.constant 0 : i32
      %dma_start3A_76 = tpu.memref_slice %arg19[%dma_start3A_74, %dma_start3A_75] : memref<128x16xf32, #tpu.memory_space<vmem>> -> memref<120x16xf32, #tpu.memory_space<vmem>>
      %dma_start3A_77 = arith.constant 0 : i32
      %dma_start3A_78 = tpu.memref_slice %arg20[%add3A_61, %dma_start3A_77] : memref<10112x16xf32, #tpu.memory_space<vmem_shared>> -> memref<120x16xf32, #tpu.memory_space<vmem_shared>>
      %dma_start3A_79 = arith.constant 0 : i32
      %dma_start3A_80 = tpu.memref_slice %arg20[%add3A_61, %dma_start3A_79] : memref<10112x16xf32, #tpu.memory_space<vmem_shared>> -> memref<120x16xf32, #tpu.memory_space<vmem_shared>>
      %dma_start3A_81 = arith.constant 0 : i32
      %dma_start3A_82 = arith.constant 0 : i32
      %dma_start3A_83 = tpu.memref_slice %arg19[%dma_start3A_81, %dma_start3A_82] : memref<128x16xf32, #tpu.memory_space<vmem>> -> memref<120x16xf32, #tpu.memory_space<vmem>>
      tpu.enqueue_dma source(%dma_start3A_83 : memref<120x16xf32, #tpu.memory_space<vmem>>) target(%dma_start3A_80 : memref<120x16xf32, #tpu.memory_space<vmem_shared>>) target_semaphore(%run_scoped3A : memref<!tpu.dma_semaphore, #tpu.memory_space<semaphore_mem>>)
      %dma_wait3A = arith.constant 0 : i32
      %dma_wait3A_84 = arith.constant 0 : i32
      %dma_wait3A_85 = tpu.memref_slice %arg19[%dma_wait3A, %dma_wait3A_84] : memref<128x16xf32, #tpu.memory_space<vmem>> -> memref<120x16xf32, #tpu.memory_space<vmem>>
      %dma_wait3A_86 = arith.constant 0 : i32
      %dma_wait3A_87 = tpu.memref_slice %arg20[%add3A_61, %dma_wait3A_86] : memref<10112x16xf32, #tpu.memory_space<vmem_shared>> -> memref<120x16xf32, #tpu.memory_space<vmem_shared>>
      %dma_wait3A_88 = arith.constant 0 : i32
      %dma_wait3A_89 = tpu.memref_slice %arg20[%add3A_61, %dma_wait3A_88] : memref<10112x16xf32, #tpu.memory_space<vmem_shared>> -> memref<120x16xf32, #tpu.memory_space<vmem_shared>>
      %dma_wait3A_90 = arith.constant 0 : i32
      %dma_wait3A_91 = arith.constant 0 : i32
      %dma_wait3A_92 = tpu.memref_slice %arg19[%dma_wait3A_90, %dma_wait3A_91] : memref<128x16xf32, #tpu.memory_space<vmem>> -> memref<120x16xf32, #tpu.memory_space<vmem>>
      tpu.wait_dma2 semaphore(%run_scoped3A : memref<!tpu.dma_semaphore, #tpu.memory_space<semaphore_mem>>) src(%dma_wait3A_92 : memref<120x16xf32, #tpu.memory_space<vmem>>) dst(%dma_wait3A_89 : memref<120x16xf32, #tpu.memory_space<vmem_shared>>)
      tpu.yield
    }) : () -> ()
    %barrier3A = arith.constant 0 : index
    tpu.barrier barrier_id(%barrier3A)
    %scan3A_62 = arith.constant 0 : i32
    %scan3A_63 = arith.constant 0 : i32
    %scan3A_64 = arith.constant 40 : i32
    %scan3A_65 = arith.addi %scan3A_63, %scan3A_64 : i32
    %scan3A_66 = arith.constant 1 : i32
    %scan3A_67 = scf.for %scan3A_74 = %scan3A_63 to %scan3A_65 step %scan3A_66 iter_args(%scan3A_75 = %scan3A_62) -> (i32)  : i32 {
      %mul3A_76 = arith.constant 4 : i32
      %mul3A_77 = arith.muli %mul3A_76, %scan3A_74 : i32
      %add3A_78 = arith.constant 3 : i32
      %add3A_79 = arith.addi %mul3A_77, %add3A_78 : i32
      %dma_start3A_80 = arith.constant 0 : i32
      %dma_start3A_81 = tpu.memref_slice %arg7[%add3A_79, %dma_start3A_80] : memref<160x128xi32, #tpu.memory_space<vmem>> -> memref<1x128xi32, #tpu.memory_space<vmem>>
      %dma_start3A_82 = tpu.memref_squeeze %dma_start3A_81 : memref<1x128xi32, #tpu.memory_space<vmem>> -> memref<128xi32, #tpu.memory_space<vmem>>
      %dma_start3A_83 = arith.constant 0 : i32
      %dma_start3A_84 = arith.constant 0 : i32
      %dma_start3A_85 = tpu.memref_slice %arg2[%dma_start3A_83, %dma_start3A_84] : memref<20000x64xf32, #tpu.memory_space<hbm>> -> memref<20000x64xf32, #tpu.memory_space<hbm>>
      tpu.enqueue_indirect_dma source(%dma_start3A_85 : memref<20000x64xf32, #tpu.memory_space<hbm>>) target(%arg9 : memref<128x64xf32, #tpu.memory_space<vmem>>) offsets(%dma_start3A_82 : memref<128xi32, #tpu.memory_space<vmem>>) semaphore(%arg14 : memref<!tpu.dma_semaphore, #tpu.memory_space<semaphore_mem>>)
      %add3A_86 = arith.constant 0 : i32
      %add3A_87 = arith.addi %mul3A_77, %add3A_86 : i32
      %dma_wait3A = arith.constant 0 : i32
      %dma_wait3A_88 = tpu.memref_slice %arg7[%add3A_87, %dma_wait3A] : memref<160x128xi32, #tpu.memory_space<vmem>> -> memref<1x128xi32, #tpu.memory_space<vmem>>
      %dma_wait3A_89 = tpu.memref_squeeze %dma_wait3A_88 : memref<1x128xi32, #tpu.memory_space<vmem>> -> memref<128xi32, #tpu.memory_space<vmem>>
      %dma_wait3A_90 = arith.constant 0 : i32
      %dma_wait3A_91 = arith.constant 0 : i32
      %dma_wait3A_92 = tpu.memref_slice %arg2[%dma_wait3A_90, %dma_wait3A_91] : memref<20000x64xf32, #tpu.memory_space<hbm>> -> memref<20000x64xf32, #tpu.memory_space<hbm>>
      tpu.wait_indirect_dma semaphore(%arg15 : memref<!tpu.dma_semaphore, #tpu.memory_space<semaphore_mem>>) src(%dma_wait3A_92 : memref<20000x64xf32, #tpu.memory_space<hbm>>) dst(%arg10 : memref<128x64xf32, #tpu.memory_space<vmem>>)
      %add3A_93 = arith.constant 0 : i32
      %add3A_94 = arith.addi %mul3A_77, %add3A_93 : i32
      "tpu.region"() ({
        %run_scoped3A = tpu.sem_alloc : memref<!tpu.dma_semaphore, #tpu.memory_space<semaphore_mem>>
        %dma_start3A_157 = arith.constant 0 : i32
        %dma_start3A_158 = tpu.memref_slice %arg8[%add3A_94, %dma_start3A_157] : memref<160x128xi32, #tpu.memory_space<vmem>> -> memref<1x128xi32, #tpu.memory_space<vmem>>
        %dma_start3A_159 = tpu.memref_squeeze %dma_start3A_158 : memref<1x128xi32, #tpu.memory_space<vmem>> -> memref<128xi32, #tpu.memory_space<vmem>>
        %dma_start3A_160 = arith.constant 0 : i32
        %dma_start3A_161 = arith.constant 0 : i32
        %dma_start3A_162 = tpu.memref_slice %arg13[%dma_start3A_160, %dma_start3A_161] : memref<10112x64xf32, #tpu.memory_space<vmem_shared>> -> memref<10112x64xf32, #tpu.memory_space<vmem_shared>>
        tpu.enqueue_indirect_dma source(%arg10 : memref<128x64xf32, #tpu.memory_space<vmem>>) target(%dma_start3A_162 : memref<10112x64xf32, #tpu.memory_space<vmem_shared>>) offsets(%dma_start3A_159 : memref<128xi32, #tpu.memory_space<vmem>>) semaphore(%run_scoped3A : memref<!tpu.dma_semaphore, #tpu.memory_space<semaphore_mem>>) {add = true}
        %dma_wait3A_163 = arith.constant 0 : i32
        %dma_wait3A_164 = tpu.memref_slice %arg8[%add3A_94, %dma_wait3A_163] : memref<160x128xi32, #tpu.memory_space<vmem>> -> memref<1x128xi32, #tpu.memory_space<vmem>>
        %dma_wait3A_165 = tpu.memref_squeeze %dma_wait3A_164 : memref<1x128xi32, #tpu.memory_space<vmem>> -> memref<128xi32, #tpu.memory_space<vmem>>
        %dma_wait3A_166 = arith.constant 0 : i32
        %dma_wait3A_167 = arith.constant 0 : i32
        %dma_wait3A_168 = tpu.memref_slice %arg13[%dma_wait3A_166, %dma_wait3A_167] : memref<10112x64xf32, #tpu.memory_space<vmem_shared>> -> memref<10112x64xf32, #tpu.memory_space<vmem_shared>>
        tpu.wait_indirect_dma semaphore(%run_scoped3A : memref<!tpu.dma_semaphore, #tpu.memory_space<semaphore_mem>>) src(%arg10 : memref<128x64xf32, #tpu.memory_space<vmem>>) dst(%dma_wait3A_168 : memref<10112x64xf32, #tpu.memory_space<vmem_shared>>)
        tpu.yield
      }) : () -> ()
      %eq3A = arith.constant 0 : i32
      %eq3A_95 = arith.cmpi eq, %arg0, %eq3A : i32
      %convert_element_type3A = arith.extui %eq3A_95 : i1 to i32
      %cond3A = arith.constant 0 : i32
      %cond3A_96 = arith.cmpi ne, %convert_element_type3A, %cond3A : i32
      scf.if %cond3A_96 {
        "tpu.region"() ({
          %run_scoped3A = tpu.sem_alloc : memref<!tpu.dma_semaphore, #tpu.memory_space<semaphore_mem>>
          %dma_start3A_157 = arith.constant 0 : i32
          %dma_start3A_158 = tpu.memref_slice %arg8[%add3A_94, %dma_start3A_157] : memref<160x128xi32, #tpu.memory_space<vmem>> -> memref<1x128xi32, #tpu.memory_space<vmem>>
          %dma_start3A_159 = tpu.memref_squeeze %dma_start3A_158 : memref<1x128xi32, #tpu.memory_space<vmem>> -> memref<128xi32, #tpu.memory_space<vmem>>
          %dma_start3A_160 = arith.constant 0 : i32
          %dma_start3A_161 = arith.constant 0 : i32
          %dma_start3A_162 = tpu.memref_slice %arg20[%dma_start3A_160, %dma_start3A_161] : memref<10112x16xf32, #tpu.memory_space<vmem_shared>> -> memref<10112x16xf32, #tpu.memory_space<vmem_shared>>
          tpu.enqueue_indirect_dma source(%arg18 : memref<128x16xf32, #tpu.memory_space<vmem>>) target(%dma_start3A_162 : memref<10112x16xf32, #tpu.memory_space<vmem_shared>>) offsets(%dma_start3A_159 : memref<128xi32, #tpu.memory_space<vmem>>) semaphore(%run_scoped3A : memref<!tpu.dma_semaphore, #tpu.memory_space<semaphore_mem>>) {add = true}
          %dma_wait3A_163 = arith.constant 0 : i32
          %dma_wait3A_164 = tpu.memref_slice %arg8[%add3A_94, %dma_wait3A_163] : memref<160x128xi32, #tpu.memory_space<vmem>> -> memref<1x128xi32, #tpu.memory_space<vmem>>
          %dma_wait3A_165 = tpu.memref_squeeze %dma_wait3A_164 : memref<1x128xi32, #tpu.memory_space<vmem>> -> memref<128xi32, #tpu.memory_space<vmem>>
          %dma_wait3A_166 = arith.constant 0 : i32
          %dma_wait3A_167 = arith.constant 0 : i32
          %dma_wait3A_168 = tpu.memref_slice %arg20[%dma_wait3A_166, %dma_wait3A_167] : memref<10112x16xf32, #tpu.memory_space<vmem_shared>> -> memref<10112x16xf32, #tpu.memory_space<vmem_shared>>
          tpu.wait_indirect_dma semaphore(%run_scoped3A : memref<!tpu.dma_semaphore, #tpu.memory_space<semaphore_mem>>) src(%arg18 : memref<128x16xf32, #tpu.memory_space<vmem>>) dst(%dma_wait3A_168 : memref<10112x16xf32, #tpu.memory_space<vmem_shared>>)
          tpu.yield
        }) : () -> ()
      } else {
      }
      %lt3A = arith.constant 39 : i32
      %lt3A_97 = arith.cmpi slt, %scan3A_74, %lt3A : i32
      %convert_element_type3A_98 = arith.extui %lt3A_97 : i1 to i32
      %cond3A_99 = arith.constant 0 : i32
      %cond3A_100 = arith.cmpi ne, %convert_element_type3A_98, %cond3A_99 : i32
      scf.if %cond3A_100 {
        %add3A_157 = arith.constant 4 : i32
        %add3A_158 = arith.addi %mul3A_77, %add3A_157 : i32
        %add3A_159 = arith.constant 0 : i32
        %add3A_160 = arith.addi %add3A_158, %add3A_159 : i32
        %dma_start3A_161 = arith.constant 0 : i32
        %dma_start3A_162 = tpu.memref_slice %arg7[%add3A_160, %dma_start3A_161] : memref<160x128xi32, #tpu.memory_space<vmem>> -> memref<1x128xi32, #tpu.memory_space<vmem>>
        %dma_start3A_163 = tpu.memref_squeeze %dma_start3A_162 : memref<1x128xi32, #tpu.memory_space<vmem>> -> memref<128xi32, #tpu.memory_space<vmem>>
        %dma_start3A_164 = arith.constant 0 : i32
        %dma_start3A_165 = arith.constant 0 : i32
        %dma_start3A_166 = tpu.memref_slice %arg2[%dma_start3A_164, %dma_start3A_165] : memref<20000x64xf32, #tpu.memory_space<hbm>> -> memref<20000x64xf32, #tpu.memory_space<hbm>>
        tpu.enqueue_indirect_dma source(%dma_start3A_166 : memref<20000x64xf32, #tpu.memory_space<hbm>>) target(%arg10 : memref<128x64xf32, #tpu.memory_space<vmem>>) offsets(%dma_start3A_163 : memref<128xi32, #tpu.memory_space<vmem>>) semaphore(%arg15 : memref<!tpu.dma_semaphore, #tpu.memory_space<semaphore_mem>>)
      } else {
      }
      %add3A_101 = arith.constant 1 : i32
      %add3A_102 = arith.addi %mul3A_77, %add3A_101 : i32
      %dma_wait3A_103 = arith.constant 0 : i32
      %dma_wait3A_104 = tpu.memref_slice %arg7[%add3A_102, %dma_wait3A_103] : memref<160x128xi32, #tpu.memory_space<vmem>> -> memref<1x128xi32, #tpu.memory_space<vmem>>
      %dma_wait3A_105 = tpu.memref_squeeze %dma_wait3A_104 : memref<1x128xi32, #tpu.memory_space<vmem>> -> memref<128xi32, #tpu.memory_space<vmem>>
      %dma_wait3A_106 = arith.constant 0 : i32
      %dma_wait3A_107 = arith.constant 0 : i32
      %dma_wait3A_108 = tpu.memref_slice %arg2[%dma_wait3A_106, %dma_wait3A_107] : memref<20000x64xf32, #tpu.memory_space<hbm>> -> memref<20000x64xf32, #tpu.memory_space<hbm>>
      tpu.wait_indirect_dma semaphore(%arg16 : memref<!tpu.dma_semaphore, #tpu.memory_space<semaphore_mem>>) src(%dma_wait3A_108 : memref<20000x64xf32, #tpu.memory_space<hbm>>) dst(%arg11 : memref<128x64xf32, #tpu.memory_space<vmem>>)
      %add3A_109 = arith.constant 1 : i32
      %add3A_110 = arith.addi %mul3A_77, %add3A_109 : i32
      "tpu.region"() ({
        %run_scoped3A = tpu.sem_alloc : memref<!tpu.dma_semaphore, #tpu.memory_space<semaphore_mem>>
        %dma_start3A_157 = arith.constant 0 : i32
        %dma_start3A_158 = tpu.memref_slice %arg8[%add3A_110, %dma_start3A_157] : memref<160x128xi32, #tpu.memory_space<vmem>> -> memref<1x128xi32, #tpu.memory_space<vmem>>
        %dma_start3A_159 = tpu.memref_squeeze %dma_start3A_158 : memref<1x128xi32, #tpu.memory_space<vmem>> -> memref<128xi32, #tpu.memory_space<vmem>>
        %dma_start3A_160 = arith.constant 0 : i32
        %dma_start3A_161 = arith.constant 0 : i32
        %dma_start3A_162 = tpu.memref_slice %arg13[%dma_start3A_160, %dma_start3A_161] : memref<10112x64xf32, #tpu.memory_space<vmem_shared>> -> memref<10112x64xf32, #tpu.memory_space<vmem_shared>>
        tpu.enqueue_indirect_dma source(%arg11 : memref<128x64xf32, #tpu.memory_space<vmem>>) target(%dma_start3A_162 : memref<10112x64xf32, #tpu.memory_space<vmem_shared>>) offsets(%dma_start3A_159 : memref<128xi32, #tpu.memory_space<vmem>>) semaphore(%run_scoped3A : memref<!tpu.dma_semaphore, #tpu.memory_space<semaphore_mem>>) {add = true}
        %dma_wait3A_163 = arith.constant 0 : i32
        %dma_wait3A_164 = tpu.memref_slice %arg8[%add3A_110, %dma_wait3A_163] : memref<160x128xi32, #tpu.memory_space<vmem>> -> memref<1x128xi32, #tpu.memory_space<vmem>>
        %dma_wait3A_165 = tpu.memref_squeeze %dma_wait3A_164 : memref<1x128xi32, #tpu.memory_space<vmem>> -> memref<128xi32, #tpu.memory_space<vmem>>
        %dma_wait3A_166 = arith.constant 0 : i32
        %dma_wait3A_167 = arith.constant 0 : i32
        %dma_wait3A_168 = tpu.memref_slice %arg13[%dma_wait3A_166, %dma_wait3A_167] : memref<10112x64xf32, #tpu.memory_space<vmem_shared>> -> memref<10112x64xf32, #tpu.memory_space<vmem_shared>>
        tpu.wait_indirect_dma semaphore(%run_scoped3A : memref<!tpu.dma_semaphore, #tpu.memory_space<semaphore_mem>>) src(%arg11 : memref<128x64xf32, #tpu.memory_space<vmem>>) dst(%dma_wait3A_168 : memref<10112x64xf32, #tpu.memory_space<vmem_shared>>)
        tpu.yield
      }) : () -> ()
      %eq3A_111 = arith.constant 1 : i32
      %eq3A_112 = arith.cmpi eq, %arg0, %eq3A_111 : i32
      %convert_element_type3A_113 = arith.extui %eq3A_112 : i1 to i32
      %cond3A_114 = arith.constant 0 : i32
      %cond3A_115 = arith.cmpi ne, %convert_element_type3A_113, %cond3A_114 : i32
      scf.if %cond3A_115 {
        "tpu.region"() ({
          %run_scoped3A = tpu.sem_alloc : memref<!tpu.dma_semaphore, #tpu.memory_space<semaphore_mem>>
          %dma_start3A_157 = arith.constant 0 : i32
          %dma_start3A_158 = tpu.memref_slice %arg8[%add3A_110, %dma_start3A_157] : memref<160x128xi32, #tpu.memory_space<vmem>> -> memref<1x128xi32, #tpu.memory_space<vmem>>
          %dma_start3A_159 = tpu.memref_squeeze %dma_start3A_158 : memref<1x128xi32, #tpu.memory_space<vmem>> -> memref<128xi32, #tpu.memory_space<vmem>>
          %dma_start3A_160 = arith.constant 0 : i32
          %dma_start3A_161 = arith.constant 0 : i32
          %dma_start3A_162 = tpu.memref_slice %arg20[%dma_start3A_160, %dma_start3A_161] : memref<10112x16xf32, #tpu.memory_space<vmem_shared>> -> memref<10112x16xf32, #tpu.memory_space<vmem_shared>>
          tpu.enqueue_indirect_dma source(%arg18 : memref<128x16xf32, #tpu.memory_space<vmem>>) target(%dma_start3A_162 : memref<10112x16xf32, #tpu.memory_space<vmem_shared>>) offsets(%dma_start3A_159 : memref<128xi32, #tpu.memory_space<vmem>>) semaphore(%run_scoped3A : memref<!tpu.dma_semaphore, #tpu.memory_space<semaphore_mem>>) {add = true}
          %dma_wait3A_163 = arith.constant 0 : i32
          %dma_wait3A_164 = tpu.memref_slice %arg8[%add3A_110, %dma_wait3A_163] : memref<160x128xi32, #tpu.memory_space<vmem>> -> memref<1x128xi32, #tpu.memory_space<vmem>>
          %dma_wait3A_165 = tpu.memref_squeeze %dma_wait3A_164 : memref<1x128xi32, #tpu.memory_space<vmem>> -> memref<128xi32, #tpu.memory_space<vmem>>
          %dma_wait3A_166 = arith.constant 0 : i32
          %dma_wait3A_167 = arith.constant 0 : i32
          %dma_wait3A_168 = tpu.memref_slice %arg20[%dma_wait3A_166, %dma_wait3A_167] : memref<10112x16xf32, #tpu.memory_space<vmem_shared>> -> memref<10112x16xf32, #tpu.memory_space<vmem_shared>>
          tpu.wait_indirect_dma semaphore(%run_scoped3A : memref<!tpu.dma_semaphore, #tpu.memory_space<semaphore_mem>>) src(%arg18 : memref<128x16xf32, #tpu.memory_space<vmem>>) dst(%dma_wait3A_168 : memref<10112x16xf32, #tpu.memory_space<vmem_shared>>)
          tpu.yield
        }) : () -> ()
      } else {
      }
      %lt3A_116 = arith.constant 39 : i32
      %lt3A_117 = arith.cmpi slt, %scan3A_74, %lt3A_116 : i32
      %convert_element_type3A_118 = arith.extui %lt3A_117 : i1 to i32
      %cond3A_119 = arith.constant 0 : i32
      %cond3A_120 = arith.cmpi ne, %convert_element_type3A_118, %cond3A_119 : i32
      scf.if %cond3A_120 {
        %add3A_157 = arith.constant 4 : i32
        %add3A_158 = arith.addi %mul3A_77, %add3A_157 : i32
        %add3A_159 = arith.constant 1 : i32
        %add3A_160 = arith.addi %add3A_158, %add3A_159 : i32
        %dma_start3A_161 = arith.constant 0 : i32
        %dma_start3A_162 = tpu.memref_slice %arg7[%add3A_160, %dma_start3A_161] : memref<160x128xi32, #tpu.memory_space<vmem>> -> memref<1x128xi32, #tpu.memory_space<vmem>>
        %dma_start3A_163 = tpu.memref_squeeze %dma_start3A_162 : memref<1x128xi32, #tpu.memory_space<vmem>> -> memref<128xi32, #tpu.memory_space<vmem>>
        %dma_start3A_164 = arith.constant 0 : i32
        %dma_start3A_165 = arith.constant 0 : i32
        %dma_start3A_166 = tpu.memref_slice %arg2[%dma_start3A_164, %dma_start3A_165] : memref<20000x64xf32, #tpu.memory_space<hbm>> -> memref<20000x64xf32, #tpu.memory_space<hbm>>
        tpu.enqueue_indirect_dma source(%dma_start3A_166 : memref<20000x64xf32, #tpu.memory_space<hbm>>) target(%arg11 : memref<128x64xf32, #tpu.memory_space<vmem>>) offsets(%dma_start3A_163 : memref<128xi32, #tpu.memory_space<vmem>>) semaphore(%arg16 : memref<!tpu.dma_semaphore, #tpu.memory_space<semaphore_mem>>)
      } else {
      }
      %add3A_121 = arith.constant 2 : i32
      %add3A_122 = arith.addi %mul3A_77, %add3A_121 : i32
      %dma_wait3A_123 = arith.constant 0 : i32
      %dma_wait3A_124 = tpu.memref_slice %arg7[%add3A_122, %dma_wait3A_123] : memref<160x128xi32, #tpu.memory_space<vmem>> -> memref<1x128xi32, #tpu.memory_space<vmem>>
      %dma_wait3A_125 = tpu.memref_squeeze %dma_wait3A_124 : memref<1x128xi32, #tpu.memory_space<vmem>> -> memref<128xi32, #tpu.memory_space<vmem>>
      %dma_wait3A_126 = arith.constant 0 : i32
      %dma_wait3A_127 = arith.constant 0 : i32
      %dma_wait3A_128 = tpu.memref_slice %arg2[%dma_wait3A_126, %dma_wait3A_127] : memref<20000x64xf32, #tpu.memory_space<hbm>> -> memref<20000x64xf32, #tpu.memory_space<hbm>>
      tpu.wait_indirect_dma semaphore(%arg17 : memref<!tpu.dma_semaphore, #tpu.memory_space<semaphore_mem>>) src(%dma_wait3A_128 : memref<20000x64xf32, #tpu.memory_space<hbm>>) dst(%arg12 : memref<128x64xf32, #tpu.memory_space<vmem>>)
      %add3A_129 = arith.constant 2 : i32
      %add3A_130 = arith.addi %mul3A_77, %add3A_129 : i32
      "tpu.region"() ({
        %run_scoped3A = tpu.sem_alloc : memref<!tpu.dma_semaphore, #tpu.memory_space<semaphore_mem>>
        %dma_start3A_157 = arith.constant 0 : i32
        %dma_start3A_158 = tpu.memref_slice %arg8[%add3A_130, %dma_start3A_157] : memref<160x128xi32, #tpu.memory_space<vmem>> -> memref<1x128xi32, #tpu.memory_space<vmem>>
        %dma_start3A_159 = tpu.memref_squeeze %dma_start3A_158 : memref<1x128xi32, #tpu.memory_space<vmem>> -> memref<128xi32, #tpu.memory_space<vmem>>
        %dma_start3A_160 = arith.constant 0 : i32
        %dma_start3A_161 = arith.constant 0 : i32
        %dma_start3A_162 = tpu.memref_slice %arg13[%dma_start3A_160, %dma_start3A_161] : memref<10112x64xf32, #tpu.memory_space<vmem_shared>> -> memref<10112x64xf32, #tpu.memory_space<vmem_shared>>
        tpu.enqueue_indirect_dma source(%arg12 : memref<128x64xf32, #tpu.memory_space<vmem>>) target(%dma_start3A_162 : memref<10112x64xf32, #tpu.memory_space<vmem_shared>>) offsets(%dma_start3A_159 : memref<128xi32, #tpu.memory_space<vmem>>) semaphore(%run_scoped3A : memref<!tpu.dma_semaphore, #tpu.memory_space<semaphore_mem>>) {add = true}
        %dma_wait3A_163 = arith.constant 0 : i32
        %dma_wait3A_164 = tpu.memref_slice %arg8[%add3A_130, %dma_wait3A_163] : memref<160x128xi32, #tpu.memory_space<vmem>> -> memref<1x128xi32, #tpu.memory_space<vmem>>
        %dma_wait3A_165 = tpu.memref_squeeze %dma_wait3A_164 : memref<1x128xi32, #tpu.memory_space<vmem>> -> memref<128xi32, #tpu.memory_space<vmem>>
        %dma_wait3A_166 = arith.constant 0 : i32
        %dma_wait3A_167 = arith.constant 0 : i32
        %dma_wait3A_168 = tpu.memref_slice %arg13[%dma_wait3A_166, %dma_wait3A_167] : memref<10112x64xf32, #tpu.memory_space<vmem_shared>> -> memref<10112x64xf32, #tpu.memory_space<vmem_shared>>
        tpu.wait_indirect_dma semaphore(%run_scoped3A : memref<!tpu.dma_semaphore, #tpu.memory_space<semaphore_mem>>) src(%arg12 : memref<128x64xf32, #tpu.memory_space<vmem>>) dst(%dma_wait3A_168 : memref<10112x64xf32, #tpu.memory_space<vmem_shared>>)
        tpu.yield
      }) : () -> ()
      %eq3A_131 = arith.constant 0 : i32
      %eq3A_132 = arith.cmpi eq, %arg0, %eq3A_131 : i32
      %convert_element_type3A_133 = arith.extui %eq3A_132 : i1 to i32
      %cond3A_134 = arith.constant 0 : i32
      %cond3A_135 = arith.cmpi ne, %convert_element_type3A_133, %cond3A_134 : i32
      scf.if %cond3A_135 {
        "tpu.region"() ({
          %run_scoped3A = tpu.sem_alloc : memref<!tpu.dma_semaphore, #tpu.memory_space<semaphore_mem>>
          %dma_start3A_157 = arith.constant 0 : i32
          %dma_start3A_158 = tpu.memref_slice %arg8[%add3A_130, %dma_start3A_157] : memref<160x128xi32, #tpu.memory_space<vmem>> -> memref<1x128xi32, #tpu.memory_space<vmem>>
          %dma_start3A_159 = tpu.memref_squeeze %dma_start3A_158 : memref<1x128xi32, #tpu.memory_space<vmem>> -> memref<128xi32, #tpu.memory_space<vmem>>
          %dma_start3A_160 = arith.constant 0 : i32
          %dma_start3A_161 = arith.constant 0 : i32
          %dma_start3A_162 = tpu.memref_slice %arg20[%dma_start3A_160, %dma_start3A_161] : memref<10112x16xf32, #tpu.memory_space<vmem_shared>> -> memref<10112x16xf32, #tpu.memory_space<vmem_shared>>
          tpu.enqueue_indirect_dma source(%arg18 : memref<128x16xf32, #tpu.memory_space<vmem>>) target(%dma_start3A_162 : memref<10112x16xf32, #tpu.memory_space<vmem_shared>>) offsets(%dma_start3A_159 : memref<128xi32, #tpu.memory_space<vmem>>) semaphore(%run_scoped3A : memref<!tpu.dma_semaphore, #tpu.memory_space<semaphore_mem>>) {add = true}
          %dma_wait3A_163 = arith.constant 0 : i32
          %dma_wait3A_164 = tpu.memref_slice %arg8[%add3A_130, %dma_wait3A_163] : memref<160x128xi32, #tpu.memory_space<vmem>> -> memref<1x128xi32, #tpu.memory_space<vmem>>
          %dma_wait3A_165 = tpu.memref_squeeze %dma_wait3A_164 : memref<1x128xi32, #tpu.memory_space<vmem>> -> memref<128xi32, #tpu.memory_space<vmem>>
          %dma_wait3A_166 = arith.constant 0 : i32
          %dma_wait3A_167 = arith.constant 0 : i32
          %dma_wait3A_168 = tpu.memref_slice %arg20[%dma_wait3A_166, %dma_wait3A_167] : memref<10112x16xf32, #tpu.memory_space<vmem_shared>> -> memref<10112x16xf32, #tpu.memory_space<vmem_shared>>
          tpu.wait_indirect_dma semaphore(%run_scoped3A : memref<!tpu.dma_semaphore, #tpu.memory_space<semaphore_mem>>) src(%arg18 : memref<128x16xf32, #tpu.memory_space<vmem>>) dst(%dma_wait3A_168 : memref<10112x16xf32, #tpu.memory_space<vmem_shared>>)
          tpu.yield
        }) : () -> ()
      } else {
      }
      %lt3A_136 = arith.constant 39 : i32
      %lt3A_137 = arith.cmpi slt, %scan3A_74, %lt3A_136 : i32
      %convert_element_type3A_138 = arith.extui %lt3A_137 : i1 to i32
      %cond3A_139 = arith.constant 0 : i32
      %cond3A_140 = arith.cmpi ne, %convert_element_type3A_138, %cond3A_139 : i32
      scf.if %cond3A_140 {
        %add3A_157 = arith.constant 4 : i32
        %add3A_158 = arith.addi %mul3A_77, %add3A_157 : i32
        %add3A_159 = arith.constant 2 : i32
        %add3A_160 = arith.addi %add3A_158, %add3A_159 : i32
        %dma_start3A_161 = arith.constant 0 : i32
        %dma_start3A_162 = tpu.memref_slice %arg7[%add3A_160, %dma_start3A_161] : memref<160x128xi32, #tpu.memory_space<vmem>> -> memref<1x128xi32, #tpu.memory_space<vmem>>
        %dma_start3A_163 = tpu.memref_squeeze %dma_start3A_162 : memref<1x128xi32, #tpu.memory_space<vmem>> -> memref<128xi32, #tpu.memory_space<vmem>>
        %dma_start3A_164 = arith.constant 0 : i32
        %dma_start3A_165 = arith.constant 0 : i32
        %dma_start3A_166 = tpu.memref_slice %arg2[%dma_start3A_164, %dma_start3A_165] : memref<20000x64xf32, #tpu.memory_space<hbm>> -> memref<20000x64xf32, #tpu.memory_space<hbm>>
        tpu.enqueue_indirect_dma source(%dma_start3A_166 : memref<20000x64xf32, #tpu.memory_space<hbm>>) target(%arg12 : memref<128x64xf32, #tpu.memory_space<vmem>>) offsets(%dma_start3A_163 : memref<128xi32, #tpu.memory_space<vmem>>) semaphore(%arg17 : memref<!tpu.dma_semaphore, #tpu.memory_space<semaphore_mem>>)
      } else {
      }
      %add3A_141 = arith.constant 3 : i32
      %add3A_142 = arith.addi %mul3A_77, %add3A_141 : i32
      %dma_wait3A_143 = arith.constant 0 : i32
      %dma_wait3A_144 = tpu.memref_slice %arg7[%add3A_142, %dma_wait3A_143] : memref<160x128xi32, #tpu.memory_space<vmem>> -> memref<1x128xi32, #tpu.memory_space<vmem>>
      %dma_wait3A_145 = tpu.memref_squeeze %dma_wait3A_144 : memref<1x128xi32, #tpu.memory_space<vmem>> -> memref<128xi32, #tpu.memory_space<vmem>>
      %dma_wait3A_146 = arith.constant 0 : i32
      %dma_wait3A_147 = arith.constant 0 : i32
      %dma_wait3A_148 = tpu.memref_slice %arg2[%dma_wait3A_146, %dma_wait3A_147] : memref<20000x64xf32, #tpu.memory_space<hbm>> -> memref<20000x64xf32, #tpu.memory_space<hbm>>
      tpu.wait_indirect_dma semaphore(%arg14 : memref<!tpu.dma_semaphore, #tpu.memory_space<semaphore_mem>>) src(%dma_wait3A_148 : memref<20000x64xf32, #tpu.memory_space<hbm>>) dst(%arg9 : memref<128x64xf32, #tpu.memory_space<vmem>>)
      %add3A_149 = arith.constant 3 : i32
      %add3A_150 = arith.addi %mul3A_77, %add3A_149 : i32
      "tpu.region"() ({
        %run_scoped3A = tpu.sem_alloc : memref<!tpu.dma_semaphore, #tpu.memory_space<semaphore_mem>>
        %dma_start3A_157 = arith.constant 0 : i32
        %dma_start3A_158 = tpu.memref_slice %arg8[%add3A_150, %dma_start3A_157] : memref<160x128xi32, #tpu.memory_space<vmem>> -> memref<1x128xi32, #tpu.memory_space<vmem>>
        %dma_start3A_159 = tpu.memref_squeeze %dma_start3A_158 : memref<1x128xi32, #tpu.memory_space<vmem>> -> memref<128xi32, #tpu.memory_space<vmem>>
        %dma_start3A_160 = arith.constant 0 : i32
        %dma_start3A_161 = arith.constant 0 : i32
        %dma_start3A_162 = tpu.memref_slice %arg13[%dma_start3A_160, %dma_start3A_161] : memref<10112x64xf32, #tpu.memory_space<vmem_shared>> -> memref<10112x64xf32, #tpu.memory_space<vmem_shared>>
        tpu.enqueue_indirect_dma source(%arg9 : memref<128x64xf32, #tpu.memory_space<vmem>>) target(%dma_start3A_162 : memref<10112x64xf32, #tpu.memory_space<vmem_shared>>) offsets(%dma_start3A_159 : memref<128xi32, #tpu.memory_space<vmem>>) semaphore(%run_scoped3A : memref<!tpu.dma_semaphore, #tpu.memory_space<semaphore_mem>>) {add = true}
        %dma_wait3A_163 = arith.constant 0 : i32
        %dma_wait3A_164 = tpu.memref_slice %arg8[%add3A_150, %dma_wait3A_163] : memref<160x128xi32, #tpu.memory_space<vmem>> -> memref<1x128xi32, #tpu.memory_space<vmem>>
        %dma_wait3A_165 = tpu.memref_squeeze %dma_wait3A_164 : memref<1x128xi32, #tpu.memory_space<vmem>> -> memref<128xi32, #tpu.memory_space<vmem>>
        %dma_wait3A_166 = arith.constant 0 : i32
        %dma_wait3A_167 = arith.constant 0 : i32
        %dma_wait3A_168 = tpu.memref_slice %arg13[%dma_wait3A_166, %dma_wait3A_167] : memref<10112x64xf32, #tpu.memory_space<vmem_shared>> -> memref<10112x64xf32, #tpu.memory_space<vmem_shared>>
        tpu.wait_indirect_dma semaphore(%run_scoped3A : memref<!tpu.dma_semaphore, #tpu.memory_space<semaphore_mem>>) src(%arg9 : memref<128x64xf32, #tpu.memory_space<vmem>>) dst(%dma_wait3A_168 : memref<10112x64xf32, #tpu.memory_space<vmem_shared>>)
        tpu.yield
      }) : () -> ()
      %eq3A_151 = arith.constant 1 : i32
      %eq3A_152 = arith.cmpi eq, %arg0, %eq3A_151 : i32
      %convert_element_type3A_153 = arith.extui %eq3A_152 : i1 to i32
      %cond3A_154 = arith.constant 0 : i32
      %cond3A_155 = arith.cmpi ne, %convert_element_type3A_153, %cond3A_154 : i32
      scf.if %cond3A_155 {
        "tpu.region"() ({
          %run_scoped3A = tpu.sem_alloc : memref<!tpu.dma_semaphore, #tpu.memory_space<semaphore_mem>>
          %dma_start3A_157 = arith.constant 0 : i32
          %dma_start3A_158 = tpu.memref_slice %arg8[%add3A_150, %dma_start3A_157] : memref<160x128xi32, #tpu.memory_space<vmem>> -> memref<1x128xi32, #tpu.memory_space<vmem>>
          %dma_start3A_159 = tpu.memref_squeeze %dma_start3A_158 : memref<1x128xi32, #tpu.memory_space<vmem>> -> memref<128xi32, #tpu.memory_space<vmem>>
          %dma_start3A_160 = arith.constant 0 : i32
          %dma_start3A_161 = arith.constant 0 : i32
          %dma_start3A_162 = tpu.memref_slice %arg20[%dma_start3A_160, %dma_start3A_161] : memref<10112x16xf32, #tpu.memory_space<vmem_shared>> -> memref<10112x16xf32, #tpu.memory_space<vmem_shared>>
          tpu.enqueue_indirect_dma source(%arg18 : memref<128x16xf32, #tpu.memory_space<vmem>>) target(%dma_start3A_162 : memref<10112x16xf32, #tpu.memory_space<vmem_shared>>) offsets(%dma_start3A_159 : memref<128xi32, #tpu.memory_space<vmem>>) semaphore(%run_scoped3A : memref<!tpu.dma_semaphore, #tpu.memory_space<semaphore_mem>>) {add = true}
          %dma_wait3A_163 = arith.constant 0 : i32
          %dma_wait3A_164 = tpu.memref_slice %arg8[%add3A_150, %dma_wait3A_163] : memref<160x128xi32, #tpu.memory_space<vmem>> -> memref<1x128xi32, #tpu.memory_space<vmem>>
          %dma_wait3A_165 = tpu.memref_squeeze %dma_wait3A_164 : memref<1x128xi32, #tpu.memory_space<vmem>> -> memref<128xi32, #tpu.memory_space<vmem>>
          %dma_wait3A_166 = arith.constant 0 : i32
          %dma_wait3A_167 = arith.constant 0 : i32
          %dma_wait3A_168 = tpu.memref_slice %arg20[%dma_wait3A_166, %dma_wait3A_167] : memref<10112x16xf32, #tpu.memory_space<vmem_shared>> -> memref<10112x16xf32, #tpu.memory_space<vmem_shared>>
          tpu.wait_indirect_dma semaphore(%run_scoped3A : memref<!tpu.dma_semaphore, #tpu.memory_space<semaphore_mem>>) src(%arg18 : memref<128x16xf32, #tpu.memory_space<vmem>>) dst(%dma_wait3A_168 : memref<10112x16xf32, #tpu.memory_space<vmem_shared>>)
          tpu.yield
        }) : () -> ()
      } else {
      }
      %scan3A_156 = arith.constant 0 : i32
      scf.yield %scan3A_156 : i32
    }
    %scan3A_68 = arith.constant 40 : i32
    %barrier3A_69 = arith.constant 0 : index
    tpu.barrier barrier_id(%barrier3A_69)
    %mul3A_70 = arith.constant 64 : i32
    %mul3A_71 = arith.muli %arg0, %mul3A_70 : i32
    "tpu.region"() ({
      %run_scoped3A = tpu.sem_alloc : memref<!tpu.dma_semaphore, #tpu.memory_space<semaphore_mem>>
      %dma_start3A_74 = tpu.memref_slice %arg5[%mul3A_35, %mul3A_71] : memref<10112x128xf32, #tpu.memory_space<hbm>> -> memref<632x64xf32, #tpu.memory_space<hbm>>
      %dma_start3A_75 = arith.constant 0 : i32
      %dma_start3A_76 = tpu.memref_slice %arg13[%mul3A_35, %dma_start3A_75] : memref<10112x64xf32, #tpu.memory_space<vmem_shared>> -> memref<632x64xf32, #tpu.memory_space<vmem_shared>>
      tpu.enqueue_dma source(%dma_start3A_76 : memref<632x64xf32, #tpu.memory_space<vmem_shared>>) target(%dma_start3A_74 : memref<632x64xf32, #tpu.memory_space<hbm>>) target_semaphore(%run_scoped3A : memref<!tpu.dma_semaphore, #tpu.memory_space<semaphore_mem>>)
      %dma_wait3A = tpu.memref_slice %arg5[%mul3A_35, %mul3A_71] : memref<10112x128xf32, #tpu.memory_space<hbm>> -> memref<632x64xf32, #tpu.memory_space<hbm>>
      %dma_wait3A_77 = arith.constant 0 : i32
      %dma_wait3A_78 = tpu.memref_slice %arg13[%mul3A_35, %dma_wait3A_77] : memref<10112x64xf32, #tpu.memory_space<vmem_shared>> -> memref<632x64xf32, #tpu.memory_space<vmem_shared>>
      tpu.wait_dma2 semaphore(%run_scoped3A : memref<!tpu.dma_semaphore, #tpu.memory_space<semaphore_mem>>) src(%dma_wait3A_78 : memref<632x64xf32, #tpu.memory_space<vmem_shared>>) dst(%dma_wait3A : memref<632x64xf32, #tpu.memory_space<hbm>>)
      tpu.yield
    }) : () -> ()
    %mul3A_72 = arith.constant 16 : i32
    %mul3A_73 = arith.muli %arg0, %mul3A_72 : i32
    "tpu.region"() ({
      %run_scoped3A = tpu.sem_alloc : memref<!tpu.dma_semaphore, #tpu.memory_space<semaphore_mem>>
      %dma_start3A_74 = tpu.memref_slice %arg6[%mul3A_35, %mul3A_73] : memref<10112x128xf32, #tpu.memory_space<hbm>> -> memref<632x16xf32, #tpu.memory_space<hbm>>
      %dma_start3A_75 = arith.constant 0 : i32
      %dma_start3A_76 = tpu.memref_slice %arg20[%mul3A_35, %dma_start3A_75] : memref<10112x16xf32, #tpu.memory_space<vmem_shared>> -> memref<632x16xf32, #tpu.memory_space<vmem_shared>>
      tpu.enqueue_dma source(%dma_start3A_76 : memref<632x16xf32, #tpu.memory_space<vmem_shared>>) target(%dma_start3A_74 : memref<632x16xf32, #tpu.memory_space<hbm>>) target_semaphore(%run_scoped3A : memref<!tpu.dma_semaphore, #tpu.memory_space<semaphore_mem>>)
      %dma_wait3A = tpu.memref_slice %arg6[%mul3A_35, %mul3A_73] : memref<10112x128xf32, #tpu.memory_space<hbm>> -> memref<632x16xf32, #tpu.memory_space<hbm>>
      %dma_wait3A_77 = arith.constant 0 : i32
      %dma_wait3A_78 = tpu.memref_slice %arg20[%mul3A_35, %dma_wait3A_77] : memref<10112x16xf32, #tpu.memory_space<vmem_shared>> -> memref<632x16xf32, #tpu.memory_space<vmem_shared>>
      tpu.wait_dma2 semaphore(%run_scoped3A : memref<!tpu.dma_semaphore, #tpu.memory_space<semaphore_mem>>) src(%dma_wait3A_78 : memref<632x16xf32, #tpu.memory_space<vmem_shared>>) dst(%dma_wait3A : memref<632x16xf32, #tpu.memory_space<hbm>>)
      tpu.yield
    }) : () -> ()
    return
  }
}

#map = affine_map<(d0, d1) -> (0, 0)>
module attributes {stable_mosaic.version = 14 : i64} {
  func.func @body(%arg0: i32, %arg1: i32, %arg2: memref<20000x64xf32, #tpu.memory_space<hbm>>, %arg3: memref<2560x128xi32, #tpu.memory_space<hbm>>, %arg4: memref<2560x128xi32, #tpu.memory_space<hbm>>, %arg5: memref<10112x128xf32, #tpu.memory_space<hbm>>, %arg6: memref<160x128xi32, #tpu.memory_space<vmem>>, %arg7: memref<160x128xi32, #tpu.memory_space<vmem>>, %arg8: memref<128x64xf32, #tpu.memory_space<vmem>>, %arg9: memref<128x64xf32, #tpu.memory_space<vmem>>, %arg10: memref<128x64xf32, #tpu.memory_space<vmem>>, %arg11: memref<128x64xf32, #tpu.memory_space<vmem>>, %arg12: memref<10112x64xf32, #tpu.memory_space<vmem_shared>>, %arg13: memref<!tpu.dma_semaphore, #tpu.memory_space<semaphore_mem>>, %arg14: memref<!tpu.dma_semaphore, #tpu.memory_space<semaphore_mem>>, %arg15: memref<!tpu.dma_semaphore, #tpu.memory_space<semaphore_mem>>, %arg16: memref<!tpu.dma_semaphore, #tpu.memory_space<semaphore_mem>>) attributes {dimension_semantics = [#tpu.dimension_semantics<core_parallel>, #tpu.dimension_semantics<subcore_parallel>], iteration_bounds = array<i64: 2, 16>, scalar_prefetch = 0 : i64, scratch_operands = 11 : i64, tpu.core_type = #tpu.core_type<sc_vector_subcore>, window_params = [{transform_indices = #map}, {transform_indices = #map}, {transform_indices = #map}, {transform_indices = #map}]} {
    %mul3A = arith.constant 160 : i32
    %mul3A_0 = arith.muli %arg1, %mul3A : i32
    "tpu.region"() ({
      %run_scoped3A = tpu.sem_alloc : memref<!tpu.dma_semaphore, #tpu.memory_space<semaphore_mem>>
      %dma_start3A_55 = arith.constant 0 : i32
      %dma_start3A_56 = tpu.memref_slice %arg3[%mul3A_0, %dma_start3A_55] : memref<2560x128xi32, #tpu.memory_space<hbm>> -> memref<160x128xi32, #tpu.memory_space<hbm>>
      %dma_start3A_57 = arith.constant 0 : i32
      %dma_start3A_58 = tpu.memref_slice %arg3[%mul3A_0, %dma_start3A_57] : memref<2560x128xi32, #tpu.memory_space<hbm>> -> memref<160x128xi32, #tpu.memory_space<hbm>>
      tpu.enqueue_dma source(%dma_start3A_58 : memref<160x128xi32, #tpu.memory_space<hbm>>) target(%arg6 : memref<160x128xi32, #tpu.memory_space<vmem>>) target_semaphore(%run_scoped3A : memref<!tpu.dma_semaphore, #tpu.memory_space<semaphore_mem>>)
      %dma_wait3A = arith.constant 0 : i32
      %dma_wait3A_59 = tpu.memref_slice %arg3[%mul3A_0, %dma_wait3A] : memref<2560x128xi32, #tpu.memory_space<hbm>> -> memref<160x128xi32, #tpu.memory_space<hbm>>
      %dma_wait3A_60 = arith.constant 0 : i32
      %dma_wait3A_61 = tpu.memref_slice %arg3[%mul3A_0, %dma_wait3A_60] : memref<2560x128xi32, #tpu.memory_space<hbm>> -> memref<160x128xi32, #tpu.memory_space<hbm>>
      tpu.wait_dma2 semaphore(%run_scoped3A : memref<!tpu.dma_semaphore, #tpu.memory_space<semaphore_mem>>) src(%dma_wait3A_61 : memref<160x128xi32, #tpu.memory_space<hbm>>) dst(%arg6 : memref<160x128xi32, #tpu.memory_space<vmem>>)
      tpu.yield
    }) : () -> ()
    "tpu.region"() ({
      %run_scoped3A = tpu.sem_alloc : memref<!tpu.dma_semaphore, #tpu.memory_space<semaphore_mem>>
      %dma_start3A_55 = arith.constant 0 : i32
      %dma_start3A_56 = tpu.memref_slice %arg4[%mul3A_0, %dma_start3A_55] : memref<2560x128xi32, #tpu.memory_space<hbm>> -> memref<160x128xi32, #tpu.memory_space<hbm>>
      %dma_start3A_57 = arith.constant 0 : i32
      %dma_start3A_58 = tpu.memref_slice %arg4[%mul3A_0, %dma_start3A_57] : memref<2560x128xi32, #tpu.memory_space<hbm>> -> memref<160x128xi32, #tpu.memory_space<hbm>>
      tpu.enqueue_dma source(%dma_start3A_58 : memref<160x128xi32, #tpu.memory_space<hbm>>) target(%arg7 : memref<160x128xi32, #tpu.memory_space<vmem>>) target_semaphore(%run_scoped3A : memref<!tpu.dma_semaphore, #tpu.memory_space<semaphore_mem>>)
      %dma_wait3A = arith.constant 0 : i32
      %dma_wait3A_59 = tpu.memref_slice %arg4[%mul3A_0, %dma_wait3A] : memref<2560x128xi32, #tpu.memory_space<hbm>> -> memref<160x128xi32, #tpu.memory_space<hbm>>
      %dma_wait3A_60 = arith.constant 0 : i32
      %dma_wait3A_61 = tpu.memref_slice %arg4[%mul3A_0, %dma_wait3A_60] : memref<2560x128xi32, #tpu.memory_space<hbm>> -> memref<160x128xi32, #tpu.memory_space<hbm>>
      tpu.wait_dma2 semaphore(%run_scoped3A : memref<!tpu.dma_semaphore, #tpu.memory_space<semaphore_mem>>) src(%dma_wait3A_61 : memref<160x128xi32, #tpu.memory_space<hbm>>) dst(%arg7 : memref<160x128xi32, #tpu.memory_space<vmem>>)
      tpu.yield
    }) : () -> ()
    %scan3A = arith.constant 0 : i32
    %scan3A_1 = arith.constant 0 : i32
    %scan3A_2 = arith.constant 1280 : i32
    %scan3A_3 = arith.addi %scan3A_1, %scan3A_2 : i32
    %scan3A_4 = arith.constant 1 : i32
    %scan3A_5 = scf.for %scan3A_55 = %scan3A_1 to %scan3A_3 step %scan3A_4 iter_args(%scan3A_56 = %scan3A) -> (i32)  : i32 {
      %jit3A = arith.constant 8 : i32
      %div3A = arith.divsi %scan3A_55, %jit3A : i32
      %sign3A = arith.constant 0 : i32
      %sign3A_57 = arith.cmpi sgt, %scan3A_55, %sign3A : i32
      %sign3A_58 = arith.extui %sign3A_57 : i1 to i32
      %sign3A_59 = arith.constant 0 : i32
      %sign3A_60 = arith.cmpi slt, %scan3A_55, %sign3A_59 : i32
      %sign3A_61 = arith.extui %sign3A_60 : i1 to i32
      %sign3A_62 = arith.subi %sign3A_58, %sign3A_61 : i32
      %sign3A_63 = arith.constant 0 : i32
      %sign3A_64 = arith.cmpi sgt, %jit3A, %sign3A_63 : i32
      %sign3A_65 = arith.extui %sign3A_64 : i1 to i32
      %sign3A_66 = arith.constant 0 : i32
      %sign3A_67 = arith.cmpi slt, %jit3A, %sign3A_66 : i32
      %sign3A_68 = arith.extui %sign3A_67 : i1 to i32
      %sign3A_69 = arith.subi %sign3A_65, %sign3A_68 : i32
      %ne3A = arith.cmpi ne, %sign3A_62, %sign3A_69 : i32
      %rem3A = arith.remsi %scan3A_55, %jit3A : i32
      %ne3A_70 = arith.constant 0 : i32
      %ne3A_71 = arith.cmpi ne, %rem3A, %ne3A_70 : i32
      %and3A = arith.andi %ne3A, %ne3A_71 : i1
      %sub3A = arith.constant 1 : i32
      %sub3A_72 = arith.subi %div3A, %sub3A : i32
      %select_n3A = arith.select %and3A, %sub3A_72, %div3A : i32
      %jit3A_73 = arith.constant 8 : i32
      %eq3A = arith.constant 0 : i32
      %eq3A_74 = arith.cmpi eq, %jit3A_73, %eq3A : i32
      %jit3A_75 = arith.constant 1 : i32
      %select_n3A_76 = arith.select %eq3A_74, %jit3A_75, %jit3A_73 : i32
      %rem3A_77 = arith.remsi %scan3A_55, %select_n3A_76 : i32
      %ne3A_78 = arith.constant 0 : i32
      %ne3A_79 = arith.cmpi ne, %rem3A_77, %ne3A_78 : i32
      %lt3A = arith.constant 0 : i32
      %lt3A_80 = arith.cmpi slt, %rem3A_77, %lt3A : i32
      %lt3A_81 = arith.constant 0 : i32
      %lt3A_82 = arith.cmpi slt, %select_n3A_76, %lt3A_81 : i32
      %ne3A_83 = arith.xori %lt3A_80, %lt3A_82 : i1
      %and3A_84 = arith.andi %ne3A_83, %ne3A_79 : i1
      %add3A_85 = arith.addi %rem3A_77, %select_n3A_76 : i32
      %select_n3A_86 = arith.select %and3A_84, %add3A_85, %rem3A_77 : i32
      %mul3A_87 = arith.constant 16 : i32
      %mul3A_88 = arith.muli %select_n3A_86, %mul3A_87 : i32
      %get3A = arith.index_cast %select_n3A : i32 to index
      %get3A_89 = arith.index_cast %mul3A_88 : i32 to index
      %get3A_90 = tpu.vector_load %arg6[%get3A, %get3A_89] {strides = array<i32>} : memref<160x128xi32, #tpu.memory_space<vmem>>, vector<1x16xi32>,
      %get3A_91 = vector.shape_cast %get3A_90 : vector<1x16xi32> to vector<16xi32>
      %add3A_92 = arith.addi %get3A_91, %get3A_91 : vector<16xi32>
      %add3A_93 = vector.broadcast %arg0 : i32 to vector<16xi32>
      %add3A_94 = arith.addi %add3A_92, %add3A_93 : vector<16xi32>
      %swap3A = arith.index_cast %select_n3A : i32 to index
      %swap3A_95 = arith.index_cast %mul3A_88 : i32 to index
      %swap3A_96 = tpu.vector_load %arg6[%swap3A, %swap3A_95] {strides = array<i32>} : memref<160x128xi32, #tpu.memory_space<vmem>>, vector<1x16xi32>,
      %swap3A_97 = vector.shape_cast %swap3A_96 : vector<1x16xi32> to vector<16xi32>
      %swap3A_98 = vector.shape_cast %add3A_94 : vector<16xi32> to vector<1x16xi32>
      tpu.vector_store %arg6[%swap3A, %swap3A_95], %swap3A_98 {strides = array<i32>} : memref<160x128xi32, #tpu.memory_space<vmem>>, vector<1x16xi32>,
      %scan3A_99 = arith.constant 0 : i32
      scf.yield %scan3A_99 : i32
    }
    %scan3A_6 = arith.constant 1280 : i32
    %dma_start3A = arith.constant 0 : i32
    %dma_start3A_7 = arith.constant 0 : i32
    %dma_start3A_8 = tpu.memref_slice %arg6[%dma_start3A, %dma_start3A_7] : memref<160x128xi32, #tpu.memory_space<vmem>> -> memref<1x128xi32, #tpu.memory_space<vmem>>
    %dma_start3A_9 = tpu.memref_squeeze %dma_start3A_8 : memref<1x128xi32, #tpu.memory_space<vmem>> -> memref<128xi32, #tpu.memory_space<vmem>>
    %dma_start3A_10 = arith.constant 0 : i32
    %dma_start3A_11 = arith.constant 0 : i32
    %dma_start3A_12 = tpu.memref_slice %arg2[%dma_start3A_10, %dma_start3A_11] : memref<20000x64xf32, #tpu.memory_space<hbm>> -> memref<20000x64xf32, #tpu.memory_space<hbm>>
    tpu.enqueue_indirect_dma source(%dma_start3A_12 : memref<20000x64xf32, #tpu.memory_space<hbm>>) target(%arg9 : memref<128x64xf32, #tpu.memory_space<vmem>>) offsets(%dma_start3A_9 : memref<128xi32, #tpu.memory_space<vmem>>) semaphore(%arg14 : memref<!tpu.dma_semaphore, #tpu.memory_space<semaphore_mem>>)
    %dma_start3A_13 = arith.constant 1 : i32
    %dma_start3A_14 = arith.constant 0 : i32
    %dma_start3A_15 = tpu.memref_slice %arg6[%dma_start3A_13, %dma_start3A_14] : memref<160x128xi32, #tpu.memory_space<vmem>> -> memref<1x128xi32, #tpu.memory_space<vmem>>
    %dma_start3A_16 = tpu.memref_squeeze %dma_start3A_15 : memref<1x128xi32, #tpu.memory_space<vmem>> -> memref<128xi32, #tpu.memory_space<vmem>>
    %dma_start3A_17 = arith.constant 0 : i32
    %dma_start3A_18 = arith.constant 0 : i32
    %dma_start3A_19 = tpu.memref_slice %arg2[%dma_start3A_17, %dma_start3A_18] : memref<20000x64xf32, #tpu.memory_space<hbm>> -> memref<20000x64xf32, #tpu.memory_space<hbm>>
    tpu.enqueue_indirect_dma source(%dma_start3A_19 : memref<20000x64xf32, #tpu.memory_space<hbm>>) target(%arg10 : memref<128x64xf32, #tpu.memory_space<vmem>>) offsets(%dma_start3A_16 : memref<128xi32, #tpu.memory_space<vmem>>) semaphore(%arg15 : memref<!tpu.dma_semaphore, #tpu.memory_space<semaphore_mem>>)
    %dma_start3A_20 = arith.constant 2 : i32
    %dma_start3A_21 = arith.constant 0 : i32
    %dma_start3A_22 = tpu.memref_slice %arg6[%dma_start3A_20, %dma_start3A_21] : memref<160x128xi32, #tpu.memory_space<vmem>> -> memref<1x128xi32, #tpu.memory_space<vmem>>
    %dma_start3A_23 = tpu.memref_squeeze %dma_start3A_22 : memref<1x128xi32, #tpu.memory_space<vmem>> -> memref<128xi32, #tpu.memory_space<vmem>>
    %dma_start3A_24 = arith.constant 0 : i32
    %dma_start3A_25 = arith.constant 0 : i32
    %dma_start3A_26 = tpu.memref_slice %arg2[%dma_start3A_24, %dma_start3A_25] : memref<20000x64xf32, #tpu.memory_space<hbm>> -> memref<20000x64xf32, #tpu.memory_space<hbm>>
    tpu.enqueue_indirect_dma source(%dma_start3A_26 : memref<20000x64xf32, #tpu.memory_space<hbm>>) target(%arg11 : memref<128x64xf32, #tpu.memory_space<vmem>>) offsets(%dma_start3A_23 : memref<128xi32, #tpu.memory_space<vmem>>) semaphore(%arg16 : memref<!tpu.dma_semaphore, #tpu.memory_space<semaphore_mem>>)
    %scan3A_27 = arith.constant 0 : i32
    %scan3A_28 = arith.constant 0 : i32
    %scan3A_29 = arith.constant 512 : i32
    %scan3A_30 = arith.addi %scan3A_28, %scan3A_29 : i32
    %scan3A_31 = arith.constant 1 : i32
    %scan3A_32 = scf.for %scan3A_55 = %scan3A_28 to %scan3A_30 step %scan3A_31 iter_args(%scan3A_56 = %scan3A_27) -> (i32)  : i32 {
      %broadcast_in_dim3A = arith.constant 0.000000e+00 : f32
      %broadcast_in_dim3A_57 = vector.broadcast %broadcast_in_dim3A : f32 to vector<16xf32>
      %jit3A = arith.constant 4 : i32
      %div3A = arith.divsi %scan3A_55, %jit3A : i32
      %sign3A = arith.constant 0 : i32
      %sign3A_58 = arith.cmpi sgt, %scan3A_55, %sign3A : i32
      %sign3A_59 = arith.extui %sign3A_58 : i1 to i32
      %sign3A_60 = arith.constant 0 : i32
      %sign3A_61 = arith.cmpi slt, %scan3A_55, %sign3A_60 : i32
      %sign3A_62 = arith.extui %sign3A_61 : i1 to i32
      %sign3A_63 = arith.subi %sign3A_59, %sign3A_62 : i32
      %sign3A_64 = arith.constant 0 : i32
      %sign3A_65 = arith.cmpi sgt, %jit3A, %sign3A_64 : i32
      %sign3A_66 = arith.extui %sign3A_65 : i1 to i32
      %sign3A_67 = arith.constant 0 : i32
      %sign3A_68 = arith.cmpi slt, %jit3A, %sign3A_67 : i32
      %sign3A_69 = arith.extui %sign3A_68 : i1 to i32
      %sign3A_70 = arith.subi %sign3A_66, %sign3A_69 : i32
      %ne3A = arith.cmpi ne, %sign3A_63, %sign3A_70 : i32
      %rem3A = arith.remsi %scan3A_55, %jit3A : i32
      %ne3A_71 = arith.constant 0 : i32
      %ne3A_72 = arith.cmpi ne, %rem3A, %ne3A_71 : i32
      %and3A = arith.andi %ne3A, %ne3A_72 : i1
      %sub3A = arith.constant 1 : i32
      %sub3A_73 = arith.subi %div3A, %sub3A : i32
      %select_n3A = arith.select %and3A, %sub3A_73, %div3A : i32
      %jit3A_74 = arith.constant 4 : i32
      %eq3A = arith.constant 0 : i32
      %eq3A_75 = arith.cmpi eq, %jit3A_74, %eq3A : i32
      %jit3A_76 = arith.constant 1 : i32
      %select_n3A_77 = arith.select %eq3A_75, %jit3A_76, %jit3A_74 : i32
      %rem3A_78 = arith.remsi %scan3A_55, %select_n3A_77 : i32
      %ne3A_79 = arith.constant 0 : i32
      %ne3A_80 = arith.cmpi ne, %rem3A_78, %ne3A_79 : i32
      %lt3A = arith.constant 0 : i32
      %lt3A_81 = arith.cmpi slt, %rem3A_78, %lt3A : i32
      %lt3A_82 = arith.constant 0 : i32
      %lt3A_83 = arith.cmpi slt, %select_n3A_77, %lt3A_82 : i32
      %ne3A_84 = arith.xori %lt3A_81, %lt3A_83 : i1
      %and3A_85 = arith.andi %ne3A_84, %ne3A_80 : i1
      %add3A_86 = arith.addi %rem3A_78, %select_n3A_77 : i32
      %select_n3A_87 = arith.select %and3A_85, %add3A_86, %rem3A_78 : i32
      %mul3A_88 = arith.constant 16 : i32
      %mul3A_89 = arith.muli %select_n3A_87, %mul3A_88 : i32
      %swap3A = arith.index_cast %select_n3A : i32 to index
      %swap3A_90 = arith.index_cast %mul3A_89 : i32 to index
      %swap3A_91 = tpu.vector_load %arg8[%swap3A, %swap3A_90] {strides = array<i32>} : memref<128x64xf32, #tpu.memory_space<vmem>>, vector<1x16xf32>,
      %swap3A_92 = vector.shape_cast %swap3A_91 : vector<1x16xf32> to vector<16xf32>
      %swap3A_93 = vector.shape_cast %broadcast_in_dim3A_57 : vector<16xf32> to vector<1x16xf32>
      tpu.vector_store %arg8[%swap3A, %swap3A_90], %swap3A_93 {strides = array<i32>} : memref<128x64xf32, #tpu.memory_space<vmem>>, vector<1x16xf32>,
      %scan3A_94 = arith.constant 0 : i32
      scf.yield %scan3A_94 : i32
    }
    %scan3A_33 = arith.constant 512 : i32
    %mul3A_34 = arith.constant 632 : i32
    %mul3A_35 = arith.muli %arg1, %mul3A_34 : i32
    %add3A = arith.constant 0 : i32
    %add3A_36 = arith.addi %mul3A_35, %add3A : i32
    "tpu.region"() ({
      %run_scoped3A = tpu.sem_alloc : memref<!tpu.dma_semaphore, #tpu.memory_space<semaphore_mem>>
      %dma_start3A_55 = arith.constant 0 : i32
      %dma_start3A_56 = tpu.memref_slice %arg12[%add3A_36, %dma_start3A_55] : memref<10112x64xf32, #tpu.memory_space<vmem_shared>> -> memref<128x64xf32, #tpu.memory_space<vmem_shared>>
      %dma_start3A_57 = arith.constant 0 : i32
      %dma_start3A_58 = tpu.memref_slice %arg12[%add3A_36, %dma_start3A_57] : memref<10112x64xf32, #tpu.memory_space<vmem_shared>> -> memref<128x64xf32, #tpu.memory_space<vmem_shared>>
      tpu.enqueue_dma source(%arg8 : memref<128x64xf32, #tpu.memory_space<vmem>>) target(%dma_start3A_58 : memref<128x64xf32, #tpu.memory_space<vmem_shared>>) target_semaphore(%run_scoped3A : memref<!tpu.dma_semaphore, #tpu.memory_space<semaphore_mem>>)
      %dma_wait3A = arith.constant 0 : i32
      %dma_wait3A_59 = tpu.memref_slice %arg12[%add3A_36, %dma_wait3A] : memref<10112x64xf32, #tpu.memory_space<vmem_shared>> -> memref<128x64xf32, #tpu.memory_space<vmem_shared>>
      %dma_wait3A_60 = arith.constant 0 : i32
      %dma_wait3A_61 = tpu.memref_slice %arg12[%add3A_36, %dma_wait3A_60] : memref<10112x64xf32, #tpu.memory_space<vmem_shared>> -> memref<128x64xf32, #tpu.memory_space<vmem_shared>>
      tpu.wait_dma2 semaphore(%run_scoped3A : memref<!tpu.dma_semaphore, #tpu.memory_space<semaphore_mem>>) src(%arg8 : memref<128x64xf32, #tpu.memory_space<vmem>>) dst(%dma_wait3A_61 : memref<128x64xf32, #tpu.memory_space<vmem_shared>>)
      tpu.yield
    }) : () -> ()
    %add3A_37 = arith.constant 128 : i32
    %add3A_38 = arith.addi %mul3A_35, %add3A_37 : i32
    "tpu.region"() ({
      %run_scoped3A = tpu.sem_alloc : memref<!tpu.dma_semaphore, #tpu.memory_space<semaphore_mem>>
      %dma_start3A_55 = arith.constant 0 : i32
      %dma_start3A_56 = tpu.memref_slice %arg12[%add3A_38, %dma_start3A_55] : memref<10112x64xf32, #tpu.memory_space<vmem_shared>> -> memref<128x64xf32, #tpu.memory_space<vmem_shared>>
      %dma_start3A_57 = arith.constant 0 : i32
      %dma_start3A_58 = tpu.memref_slice %arg12[%add3A_38, %dma_start3A_57] : memref<10112x64xf32, #tpu.memory_space<vmem_shared>> -> memref<128x64xf32, #tpu.memory_space<vmem_shared>>
      tpu.enqueue_dma source(%arg8 : memref<128x64xf32, #tpu.memory_space<vmem>>) target(%dma_start3A_58 : memref<128x64xf32, #tpu.memory_space<vmem_shared>>) target_semaphore(%run_scoped3A : memref<!tpu.dma_semaphore, #tpu.memory_space<semaphore_mem>>)
      %dma_wait3A = arith.constant 0 : i32
      %dma_wait3A_59 = tpu.memref_slice %arg12[%add3A_38, %dma_wait3A] : memref<10112x64xf32, #tpu.memory_space<vmem_shared>> -> memref<128x64xf32, #tpu.memory_space<vmem_shared>>
      %dma_wait3A_60 = arith.constant 0 : i32
      %dma_wait3A_61 = tpu.memref_slice %arg12[%add3A_38, %dma_wait3A_60] : memref<10112x64xf32, #tpu.memory_space<vmem_shared>> -> memref<128x64xf32, #tpu.memory_space<vmem_shared>>
      tpu.wait_dma2 semaphore(%run_scoped3A : memref<!tpu.dma_semaphore, #tpu.memory_space<semaphore_mem>>) src(%arg8 : memref<128x64xf32, #tpu.memory_space<vmem>>) dst(%dma_wait3A_61 : memref<128x64xf32, #tpu.memory_space<vmem_shared>>)
      tpu.yield
    }) : () -> ()
    %add3A_39 = arith.constant 256 : i32
    %add3A_40 = arith.addi %mul3A_35, %add3A_39 : i32
    "tpu.region"() ({
      %run_scoped3A = tpu.sem_alloc : memref<!tpu.dma_semaphore, #tpu.memory_space<semaphore_mem>>
      %dma_start3A_55 = arith.constant 0 : i32
      %dma_start3A_56 = tpu.memref_slice %arg12[%add3A_40, %dma_start3A_55] : memref<10112x64xf32, #tpu.memory_space<vmem_shared>> -> memref<128x64xf32, #tpu.memory_space<vmem_shared>>
      %dma_start3A_57 = arith.constant 0 : i32
      %dma_start3A_58 = tpu.memref_slice %arg12[%add3A_40, %dma_start3A_57] : memref<10112x64xf32, #tpu.memory_space<vmem_shared>> -> memref<128x64xf32, #tpu.memory_space<vmem_shared>>
      tpu.enqueue_dma source(%arg8 : memref<128x64xf32, #tpu.memory_space<vmem>>) target(%dma_start3A_58 : memref<128x64xf32, #tpu.memory_space<vmem_shared>>) target_semaphore(%run_scoped3A : memref<!tpu.dma_semaphore, #tpu.memory_space<semaphore_mem>>)
      %dma_wait3A = arith.constant 0 : i32
      %dma_wait3A_59 = tpu.memref_slice %arg12[%add3A_40, %dma_wait3A] : memref<10112x64xf32, #tpu.memory_space<vmem_shared>> -> memref<128x64xf32, #tpu.memory_space<vmem_shared>>
      %dma_wait3A_60 = arith.constant 0 : i32
      %dma_wait3A_61 = tpu.memref_slice %arg12[%add3A_40, %dma_wait3A_60] : memref<10112x64xf32, #tpu.memory_space<vmem_shared>> -> memref<128x64xf32, #tpu.memory_space<vmem_shared>>
      tpu.wait_dma2 semaphore(%run_scoped3A : memref<!tpu.dma_semaphore, #tpu.memory_space<semaphore_mem>>) src(%arg8 : memref<128x64xf32, #tpu.memory_space<vmem>>) dst(%dma_wait3A_61 : memref<128x64xf32, #tpu.memory_space<vmem_shared>>)
      tpu.yield
    }) : () -> ()
    %add3A_41 = arith.constant 384 : i32
    %add3A_42 = arith.addi %mul3A_35, %add3A_41 : i32
    "tpu.region"() ({
      %run_scoped3A = tpu.sem_alloc : memref<!tpu.dma_semaphore, #tpu.memory_space<semaphore_mem>>
      %dma_start3A_55 = arith.constant 0 : i32
      %dma_start3A_56 = tpu.memref_slice %arg12[%add3A_42, %dma_start3A_55] : memref<10112x64xf32, #tpu.memory_space<vmem_shared>> -> memref<128x64xf32, #tpu.memory_space<vmem_shared>>
      %dma_start3A_57 = arith.constant 0 : i32
      %dma_start3A_58 = tpu.memref_slice %arg12[%add3A_42, %dma_start3A_57] : memref<10112x64xf32, #tpu.memory_space<vmem_shared>> -> memref<128x64xf32, #tpu.memory_space<vmem_shared>>
      tpu.enqueue_dma source(%arg8 : memref<128x64xf32, #tpu.memory_space<vmem>>) target(%dma_start3A_58 : memref<128x64xf32, #tpu.memory_space<vmem_shared>>) target_semaphore(%run_scoped3A : memref<!tpu.dma_semaphore, #tpu.memory_space<semaphore_mem>>)
      %dma_wait3A = arith.constant 0 : i32
      %dma_wait3A_59 = tpu.memref_slice %arg12[%add3A_42, %dma_wait3A] : memref<10112x64xf32, #tpu.memory_space<vmem_shared>> -> memref<128x64xf32, #tpu.memory_space<vmem_shared>>
      %dma_wait3A_60 = arith.constant 0 : i32
      %dma_wait3A_61 = tpu.memref_slice %arg12[%add3A_42, %dma_wait3A_60] : memref<10112x64xf32, #tpu.memory_space<vmem_shared>> -> memref<128x64xf32, #tpu.memory_space<vmem_shared>>
      tpu.wait_dma2 semaphore(%run_scoped3A : memref<!tpu.dma_semaphore, #tpu.memory_space<semaphore_mem>>) src(%arg8 : memref<128x64xf32, #tpu.memory_space<vmem>>) dst(%dma_wait3A_61 : memref<128x64xf32, #tpu.memory_space<vmem_shared>>)
      tpu.yield
    }) : () -> ()
    %add3A_43 = arith.constant 512 : i32
    %add3A_44 = arith.addi %mul3A_35, %add3A_43 : i32
    "tpu.region"() ({
      %run_scoped3A = tpu.sem_alloc : memref<!tpu.dma_semaphore, #tpu.memory_space<semaphore_mem>>
      %dma_start3A_55 = arith.constant 0 : i32
      %dma_start3A_56 = arith.constant 0 : i32
      %dma_start3A_57 = tpu.memref_slice %arg8[%dma_start3A_55, %dma_start3A_56] : memref<128x64xf32, #tpu.memory_space<vmem>> -> memref<120x64xf32, #tpu.memory_space<vmem>>
      %dma_start3A_58 = arith.constant 0 : i32
      %dma_start3A_59 = tpu.memref_slice %arg12[%add3A_44, %dma_start3A_58] : memref<10112x64xf32, #tpu.memory_space<vmem_shared>> -> memref<120x64xf32, #tpu.memory_space<vmem_shared>>
      %dma_start3A_60 = arith.constant 0 : i32
      %dma_start3A_61 = tpu.memref_slice %arg12[%add3A_44, %dma_start3A_60] : memref<10112x64xf32, #tpu.memory_space<vmem_shared>> -> memref<120x64xf32, #tpu.memory_space<vmem_shared>>
      %dma_start3A_62 = arith.constant 0 : i32
      %dma_start3A_63 = arith.constant 0 : i32
      %dma_start3A_64 = tpu.memref_slice %arg8[%dma_start3A_62, %dma_start3A_63] : memref<128x64xf32, #tpu.memory_space<vmem>> -> memref<120x64xf32, #tpu.memory_space<vmem>>
      tpu.enqueue_dma source(%dma_start3A_64 : memref<120x64xf32, #tpu.memory_space<vmem>>) target(%dma_start3A_61 : memref<120x64xf32, #tpu.memory_space<vmem_shared>>) target_semaphore(%run_scoped3A : memref<!tpu.dma_semaphore, #tpu.memory_space<semaphore_mem>>)
      %dma_wait3A = arith.constant 0 : i32
      %dma_wait3A_65 = arith.constant 0 : i32
      %dma_wait3A_66 = tpu.memref_slice %arg8[%dma_wait3A, %dma_wait3A_65] : memref<128x64xf32, #tpu.memory_space<vmem>> -> memref<120x64xf32, #tpu.memory_space<vmem>>
      %dma_wait3A_67 = arith.constant 0 : i32
      %dma_wait3A_68 = tpu.memref_slice %arg12[%add3A_44, %dma_wait3A_67] : memref<10112x64xf32, #tpu.memory_space<vmem_shared>> -> memref<120x64xf32, #tpu.memory_space<vmem_shared>>
      %dma_wait3A_69 = arith.constant 0 : i32
      %dma_wait3A_70 = tpu.memref_slice %arg12[%add3A_44, %dma_wait3A_69] : memref<10112x64xf32, #tpu.memory_space<vmem_shared>> -> memref<120x64xf32, #tpu.memory_space<vmem_shared>>
      %dma_wait3A_71 = arith.constant 0 : i32
      %dma_wait3A_72 = arith.constant 0 : i32
      %dma_wait3A_73 = tpu.memref_slice %arg8[%dma_wait3A_71, %dma_wait3A_72] : memref<128x64xf32, #tpu.memory_space<vmem>> -> memref<120x64xf32, #tpu.memory_space<vmem>>
      tpu.wait_dma2 semaphore(%run_scoped3A : memref<!tpu.dma_semaphore, #tpu.memory_space<semaphore_mem>>) src(%dma_wait3A_73 : memref<120x64xf32, #tpu.memory_space<vmem>>) dst(%dma_wait3A_70 : memref<120x64xf32, #tpu.memory_space<vmem_shared>>)
      tpu.yield
    }) : () -> ()
    %barrier3A = arith.constant 0 : index
    tpu.barrier barrier_id(%barrier3A)
    %scan3A_45 = arith.constant 0 : i32
    %scan3A_46 = arith.constant 0 : i32
    %scan3A_47 = arith.constant 40 : i32
    %scan3A_48 = arith.addi %scan3A_46, %scan3A_47 : i32
    %scan3A_49 = arith.constant 1 : i32
    %scan3A_50 = scf.for %scan3A_55 = %scan3A_46 to %scan3A_48 step %scan3A_49 iter_args(%scan3A_56 = %scan3A_45) -> (i32)  : i32 {
      %mul3A_57 = arith.constant 4 : i32
      %mul3A_58 = arith.muli %mul3A_57, %scan3A_55 : i32
      %add3A_59 = arith.constant 3 : i32
      %add3A_60 = arith.addi %mul3A_58, %add3A_59 : i32
      %dma_start3A_61 = arith.constant 0 : i32
      %dma_start3A_62 = tpu.memref_slice %arg6[%add3A_60, %dma_start3A_61] : memref<160x128xi32, #tpu.memory_space<vmem>> -> memref<1x128xi32, #tpu.memory_space<vmem>>
      %dma_start3A_63 = tpu.memref_squeeze %dma_start3A_62 : memref<1x128xi32, #tpu.memory_space<vmem>> -> memref<128xi32, #tpu.memory_space<vmem>>
      %dma_start3A_64 = arith.constant 0 : i32
      %dma_start3A_65 = arith.constant 0 : i32
      %dma_start3A_66 = tpu.memref_slice %arg2[%dma_start3A_64, %dma_start3A_65] : memref<20000x64xf32, #tpu.memory_space<hbm>> -> memref<20000x64xf32, #tpu.memory_space<hbm>>
      tpu.enqueue_indirect_dma source(%dma_start3A_66 : memref<20000x64xf32, #tpu.memory_space<hbm>>) target(%arg8 : memref<128x64xf32, #tpu.memory_space<vmem>>) offsets(%dma_start3A_63 : memref<128xi32, #tpu.memory_space<vmem>>) semaphore(%arg13 : memref<!tpu.dma_semaphore, #tpu.memory_space<semaphore_mem>>)
      %add3A_67 = arith.constant 0 : i32
      %add3A_68 = arith.addi %mul3A_58, %add3A_67 : i32
      %dma_wait3A = arith.constant 0 : i32
      %dma_wait3A_69 = tpu.memref_slice %arg6[%add3A_68, %dma_wait3A] : memref<160x128xi32, #tpu.memory_space<vmem>> -> memref<1x128xi32, #tpu.memory_space<vmem>>
      %dma_wait3A_70 = tpu.memref_squeeze %dma_wait3A_69 : memref<1x128xi32, #tpu.memory_space<vmem>> -> memref<128xi32, #tpu.memory_space<vmem>>
      %dma_wait3A_71 = arith.constant 0 : i32
      %dma_wait3A_72 = arith.constant 0 : i32
      %dma_wait3A_73 = tpu.memref_slice %arg2[%dma_wait3A_71, %dma_wait3A_72] : memref<20000x64xf32, #tpu.memory_space<hbm>> -> memref<20000x64xf32, #tpu.memory_space<hbm>>
      tpu.wait_indirect_dma semaphore(%arg14 : memref<!tpu.dma_semaphore, #tpu.memory_space<semaphore_mem>>) src(%dma_wait3A_73 : memref<20000x64xf32, #tpu.memory_space<hbm>>) dst(%arg9 : memref<128x64xf32, #tpu.memory_space<vmem>>)
      %add3A_74 = arith.constant 0 : i32
      %add3A_75 = arith.addi %mul3A_58, %add3A_74 : i32
      "tpu.region"() ({
        %run_scoped3A = tpu.sem_alloc : memref<!tpu.dma_semaphore, #tpu.memory_space<semaphore_mem>>
        %dma_start3A_119 = arith.constant 0 : i32
        %dma_start3A_120 = tpu.memref_slice %arg7[%add3A_75, %dma_start3A_119] : memref<160x128xi32, #tpu.memory_space<vmem>> -> memref<1x128xi32, #tpu.memory_space<vmem>>
        %dma_start3A_121 = tpu.memref_squeeze %dma_start3A_120 : memref<1x128xi32, #tpu.memory_space<vmem>> -> memref<128xi32, #tpu.memory_space<vmem>>
        %dma_start3A_122 = arith.constant 0 : i32
        %dma_start3A_123 = arith.constant 0 : i32
        %dma_start3A_124 = tpu.memref_slice %arg12[%dma_start3A_122, %dma_start3A_123] : memref<10112x64xf32, #tpu.memory_space<vmem_shared>> -> memref<10112x64xf32, #tpu.memory_space<vmem_shared>>
        tpu.enqueue_indirect_dma source(%arg9 : memref<128x64xf32, #tpu.memory_space<vmem>>) target(%dma_start3A_124 : memref<10112x64xf32, #tpu.memory_space<vmem_shared>>) offsets(%dma_start3A_121 : memref<128xi32, #tpu.memory_space<vmem>>) semaphore(%run_scoped3A : memref<!tpu.dma_semaphore, #tpu.memory_space<semaphore_mem>>) {add = true}
        %dma_wait3A_125 = arith.constant 0 : i32
        %dma_wait3A_126 = tpu.memref_slice %arg7[%add3A_75, %dma_wait3A_125] : memref<160x128xi32, #tpu.memory_space<vmem>> -> memref<1x128xi32, #tpu.memory_space<vmem>>
        %dma_wait3A_127 = tpu.memref_squeeze %dma_wait3A_126 : memref<1x128xi32, #tpu.memory_space<vmem>> -> memref<128xi32, #tpu.memory_space<vmem>>
        %dma_wait3A_128 = arith.constant 0 : i32
        %dma_wait3A_129 = arith.constant 0 : i32
        %dma_wait3A_130 = tpu.memref_slice %arg12[%dma_wait3A_128, %dma_wait3A_129] : memref<10112x64xf32, #tpu.memory_space<vmem_shared>> -> memref<10112x64xf32, #tpu.memory_space<vmem_shared>>
        tpu.wait_indirect_dma semaphore(%run_scoped3A : memref<!tpu.dma_semaphore, #tpu.memory_space<semaphore_mem>>) src(%arg9 : memref<128x64xf32, #tpu.memory_space<vmem>>) dst(%dma_wait3A_130 : memref<10112x64xf32, #tpu.memory_space<vmem_shared>>)
        tpu.yield
      }) : () -> ()
      %lt3A = arith.constant 39 : i32
      %lt3A_76 = arith.cmpi slt, %scan3A_55, %lt3A : i32
      %convert_element_type3A = arith.extui %lt3A_76 : i1 to i32
      %cond3A = arith.constant 0 : i32
      %cond3A_77 = arith.cmpi ne, %convert_element_type3A, %cond3A : i32
      scf.if %cond3A_77 {
        %add3A_119 = arith.constant 4 : i32
        %add3A_120 = arith.addi %mul3A_58, %add3A_119 : i32
        %add3A_121 = arith.constant 0 : i32
        %add3A_122 = arith.addi %add3A_120, %add3A_121 : i32
        %dma_start3A_123 = arith.constant 0 : i32
        %dma_start3A_124 = tpu.memref_slice %arg6[%add3A_122, %dma_start3A_123] : memref<160x128xi32, #tpu.memory_space<vmem>> -> memref<1x128xi32, #tpu.memory_space<vmem>>
        %dma_start3A_125 = tpu.memref_squeeze %dma_start3A_124 : memref<1x128xi32, #tpu.memory_space<vmem>> -> memref<128xi32, #tpu.memory_space<vmem>>
        %dma_start3A_126 = arith.constant 0 : i32
        %dma_start3A_127 = arith.constant 0 : i32
        %dma_start3A_128 = tpu.memref_slice %arg2[%dma_start3A_126, %dma_start3A_127] : memref<20000x64xf32, #tpu.memory_space<hbm>> -> memref<20000x64xf32, #tpu.memory_space<hbm>>
        tpu.enqueue_indirect_dma source(%dma_start3A_128 : memref<20000x64xf32, #tpu.memory_space<hbm>>) target(%arg9 : memref<128x64xf32, #tpu.memory_space<vmem>>) offsets(%dma_start3A_125 : memref<128xi32, #tpu.memory_space<vmem>>) semaphore(%arg14 : memref<!tpu.dma_semaphore, #tpu.memory_space<semaphore_mem>>)
      } else {
      }
      %add3A_78 = arith.constant 1 : i32
      %add3A_79 = arith.addi %mul3A_58, %add3A_78 : i32
      %dma_wait3A_80 = arith.constant 0 : i32
      %dma_wait3A_81 = tpu.memref_slice %arg6[%add3A_79, %dma_wait3A_80] : memref<160x128xi32, #tpu.memory_space<vmem>> -> memref<1x128xi32, #tpu.memory_space<vmem>>
      %dma_wait3A_82 = tpu.memref_squeeze %dma_wait3A_81 : memref<1x128xi32, #tpu.memory_space<vmem>> -> memref<128xi32, #tpu.memory_space<vmem>>
      %dma_wait3A_83 = arith.constant 0 : i32
      %dma_wait3A_84 = arith.constant 0 : i32
      %dma_wait3A_85 = tpu.memref_slice %arg2[%dma_wait3A_83, %dma_wait3A_84] : memref<20000x64xf32, #tpu.memory_space<hbm>> -> memref<20000x64xf32, #tpu.memory_space<hbm>>
      tpu.wait_indirect_dma semaphore(%arg15 : memref<!tpu.dma_semaphore, #tpu.memory_space<semaphore_mem>>) src(%dma_wait3A_85 : memref<20000x64xf32, #tpu.memory_space<hbm>>) dst(%arg10 : memref<128x64xf32, #tpu.memory_space<vmem>>)
      %add3A_86 = arith.constant 1 : i32
      %add3A_87 = arith.addi %mul3A_58, %add3A_86 : i32
      "tpu.region"() ({
        %run_scoped3A = tpu.sem_alloc : memref<!tpu.dma_semaphore, #tpu.memory_space<semaphore_mem>>
        %dma_start3A_119 = arith.constant 0 : i32
        %dma_start3A_120 = tpu.memref_slice %arg7[%add3A_87, %dma_start3A_119] : memref<160x128xi32, #tpu.memory_space<vmem>> -> memref<1x128xi32, #tpu.memory_space<vmem>>
        %dma_start3A_121 = tpu.memref_squeeze %dma_start3A_120 : memref<1x128xi32, #tpu.memory_space<vmem>> -> memref<128xi32, #tpu.memory_space<vmem>>
        %dma_start3A_122 = arith.constant 0 : i32
        %dma_start3A_123 = arith.constant 0 : i32
        %dma_start3A_124 = tpu.memref_slice %arg12[%dma_start3A_122, %dma_start3A_123] : memref<10112x64xf32, #tpu.memory_space<vmem_shared>> -> memref<10112x64xf32, #tpu.memory_space<vmem_shared>>
        tpu.enqueue_indirect_dma source(%arg10 : memref<128x64xf32, #tpu.memory_space<vmem>>) target(%dma_start3A_124 : memref<10112x64xf32, #tpu.memory_space<vmem_shared>>) offsets(%dma_start3A_121 : memref<128xi32, #tpu.memory_space<vmem>>) semaphore(%run_scoped3A : memref<!tpu.dma_semaphore, #tpu.memory_space<semaphore_mem>>) {add = true}
        %dma_wait3A_125 = arith.constant 0 : i32
        %dma_wait3A_126 = tpu.memref_slice %arg7[%add3A_87, %dma_wait3A_125] : memref<160x128xi32, #tpu.memory_space<vmem>> -> memref<1x128xi32, #tpu.memory_space<vmem>>
        %dma_wait3A_127 = tpu.memref_squeeze %dma_wait3A_126 : memref<1x128xi32, #tpu.memory_space<vmem>> -> memref<128xi32, #tpu.memory_space<vmem>>
        %dma_wait3A_128 = arith.constant 0 : i32
        %dma_wait3A_129 = arith.constant 0 : i32
        %dma_wait3A_130 = tpu.memref_slice %arg12[%dma_wait3A_128, %dma_wait3A_129] : memref<10112x64xf32, #tpu.memory_space<vmem_shared>> -> memref<10112x64xf32, #tpu.memory_space<vmem_shared>>
        tpu.wait_indirect_dma semaphore(%run_scoped3A : memref<!tpu.dma_semaphore, #tpu.memory_space<semaphore_mem>>) src(%arg10 : memref<128x64xf32, #tpu.memory_space<vmem>>) dst(%dma_wait3A_130 : memref<10112x64xf32, #tpu.memory_space<vmem_shared>>)
        tpu.yield
      }) : () -> ()
      %lt3A_88 = arith.constant 39 : i32
      %lt3A_89 = arith.cmpi slt, %scan3A_55, %lt3A_88 : i32
      %convert_element_type3A_90 = arith.extui %lt3A_89 : i1 to i32
      %cond3A_91 = arith.constant 0 : i32
      %cond3A_92 = arith.cmpi ne, %convert_element_type3A_90, %cond3A_91 : i32
      scf.if %cond3A_92 {
        %add3A_119 = arith.constant 4 : i32
        %add3A_120 = arith.addi %mul3A_58, %add3A_119 : i32
        %add3A_121 = arith.constant 1 : i32
        %add3A_122 = arith.addi %add3A_120, %add3A_121 : i32
        %dma_start3A_123 = arith.constant 0 : i32
        %dma_start3A_124 = tpu.memref_slice %arg6[%add3A_122, %dma_start3A_123] : memref<160x128xi32, #tpu.memory_space<vmem>> -> memref<1x128xi32, #tpu.memory_space<vmem>>
        %dma_start3A_125 = tpu.memref_squeeze %dma_start3A_124 : memref<1x128xi32, #tpu.memory_space<vmem>> -> memref<128xi32, #tpu.memory_space<vmem>>
        %dma_start3A_126 = arith.constant 0 : i32
        %dma_start3A_127 = arith.constant 0 : i32
        %dma_start3A_128 = tpu.memref_slice %arg2[%dma_start3A_126, %dma_start3A_127] : memref<20000x64xf32, #tpu.memory_space<hbm>> -> memref<20000x64xf32, #tpu.memory_space<hbm>>
        tpu.enqueue_indirect_dma source(%dma_start3A_128 : memref<20000x64xf32, #tpu.memory_space<hbm>>) target(%arg10 : memref<128x64xf32, #tpu.memory_space<vmem>>) offsets(%dma_start3A_125 : memref<128xi32, #tpu.memory_space<vmem>>) semaphore(%arg15 : memref<!tpu.dma_semaphore, #tpu.memory_space<semaphore_mem>>)
      } else {
      }
      %add3A_93 = arith.constant 2 : i32
      %add3A_94 = arith.addi %mul3A_58, %add3A_93 : i32
      %dma_wait3A_95 = arith.constant 0 : i32
      %dma_wait3A_96 = tpu.memref_slice %arg6[%add3A_94, %dma_wait3A_95] : memref<160x128xi32, #tpu.memory_space<vmem>> -> memref<1x128xi32, #tpu.memory_space<vmem>>
      %dma_wait3A_97 = tpu.memref_squeeze %dma_wait3A_96 : memref<1x128xi32, #tpu.memory_space<vmem>> -> memref<128xi32, #tpu.memory_space<vmem>>
      %dma_wait3A_98 = arith.constant 0 : i32
      %dma_wait3A_99 = arith.constant 0 : i32
      %dma_wait3A_100 = tpu.memref_slice %arg2[%dma_wait3A_98, %dma_wait3A_99] : memref<20000x64xf32, #tpu.memory_space<hbm>> -> memref<20000x64xf32, #tpu.memory_space<hbm>>
      tpu.wait_indirect_dma semaphore(%arg16 : memref<!tpu.dma_semaphore, #tpu.memory_space<semaphore_mem>>) src(%dma_wait3A_100 : memref<20000x64xf32, #tpu.memory_space<hbm>>) dst(%arg11 : memref<128x64xf32, #tpu.memory_space<vmem>>)
      %add3A_101 = arith.constant 2 : i32
      %add3A_102 = arith.addi %mul3A_58, %add3A_101 : i32
      "tpu.region"() ({
        %run_scoped3A = tpu.sem_alloc : memref<!tpu.dma_semaphore, #tpu.memory_space<semaphore_mem>>
        %dma_start3A_119 = arith.constant 0 : i32
        %dma_start3A_120 = tpu.memref_slice %arg7[%add3A_102, %dma_start3A_119] : memref<160x128xi32, #tpu.memory_space<vmem>> -> memref<1x128xi32, #tpu.memory_space<vmem>>
        %dma_start3A_121 = tpu.memref_squeeze %dma_start3A_120 : memref<1x128xi32, #tpu.memory_space<vmem>> -> memref<128xi32, #tpu.memory_space<vmem>>
        %dma_start3A_122 = arith.constant 0 : i32
        %dma_start3A_123 = arith.constant 0 : i32
        %dma_start3A_124 = tpu.memref_slice %arg12[%dma_start3A_122, %dma_start3A_123] : memref<10112x64xf32, #tpu.memory_space<vmem_shared>> -> memref<10112x64xf32, #tpu.memory_space<vmem_shared>>
        tpu.enqueue_indirect_dma source(%arg11 : memref<128x64xf32, #tpu.memory_space<vmem>>) target(%dma_start3A_124 : memref<10112x64xf32, #tpu.memory_space<vmem_shared>>) offsets(%dma_start3A_121 : memref<128xi32, #tpu.memory_space<vmem>>) semaphore(%run_scoped3A : memref<!tpu.dma_semaphore, #tpu.memory_space<semaphore_mem>>) {add = true}
        %dma_wait3A_125 = arith.constant 0 : i32
        %dma_wait3A_126 = tpu.memref_slice %arg7[%add3A_102, %dma_wait3A_125] : memref<160x128xi32, #tpu.memory_space<vmem>> -> memref<1x128xi32, #tpu.memory_space<vmem>>
        %dma_wait3A_127 = tpu.memref_squeeze %dma_wait3A_126 : memref<1x128xi32, #tpu.memory_space<vmem>> -> memref<128xi32, #tpu.memory_space<vmem>>
        %dma_wait3A_128 = arith.constant 0 : i32
        %dma_wait3A_129 = arith.constant 0 : i32
        %dma_wait3A_130 = tpu.memref_slice %arg12[%dma_wait3A_128, %dma_wait3A_129] : memref<10112x64xf32, #tpu.memory_space<vmem_shared>> -> memref<10112x64xf32, #tpu.memory_space<vmem_shared>>
        tpu.wait_indirect_dma semaphore(%run_scoped3A : memref<!tpu.dma_semaphore, #tpu.memory_space<semaphore_mem>>) src(%arg11 : memref<128x64xf32, #tpu.memory_space<vmem>>) dst(%dma_wait3A_130 : memref<10112x64xf32, #tpu.memory_space<vmem_shared>>)
        tpu.yield
      }) : () -> ()
      %lt3A_103 = arith.constant 39 : i32
      %lt3A_104 = arith.cmpi slt, %scan3A_55, %lt3A_103 : i32
      %convert_element_type3A_105 = arith.extui %lt3A_104 : i1 to i32
      %cond3A_106 = arith.constant 0 : i32
      %cond3A_107 = arith.cmpi ne, %convert_element_type3A_105, %cond3A_106 : i32
      scf.if %cond3A_107 {
        %add3A_119 = arith.constant 4 : i32
        %add3A_120 = arith.addi %mul3A_58, %add3A_119 : i32
        %add3A_121 = arith.constant 2 : i32
        %add3A_122 = arith.addi %add3A_120, %add3A_121 : i32
        %dma_start3A_123 = arith.constant 0 : i32
        %dma_start3A_124 = tpu.memref_slice %arg6[%add3A_122, %dma_start3A_123] : memref<160x128xi32, #tpu.memory_space<vmem>> -> memref<1x128xi32, #tpu.memory_space<vmem>>
        %dma_start3A_125 = tpu.memref_squeeze %dma_start3A_124 : memref<1x128xi32, #tpu.memory_space<vmem>> -> memref<128xi32, #tpu.memory_space<vmem>>
        %dma_start3A_126 = arith.constant 0 : i32
        %dma_start3A_127 = arith.constant 0 : i32
        %dma_start3A_128 = tpu.memref_slice %arg2[%dma_start3A_126, %dma_start3A_127] : memref<20000x64xf32, #tpu.memory_space<hbm>> -> memref<20000x64xf32, #tpu.memory_space<hbm>>
        tpu.enqueue_indirect_dma source(%dma_start3A_128 : memref<20000x64xf32, #tpu.memory_space<hbm>>) target(%arg11 : memref<128x64xf32, #tpu.memory_space<vmem>>) offsets(%dma_start3A_125 : memref<128xi32, #tpu.memory_space<vmem>>) semaphore(%arg16 : memref<!tpu.dma_semaphore, #tpu.memory_space<semaphore_mem>>)
      } else {
      }
      %add3A_108 = arith.constant 3 : i32
      %add3A_109 = arith.addi %mul3A_58, %add3A_108 : i32
      %dma_wait3A_110 = arith.constant 0 : i32
      %dma_wait3A_111 = tpu.memref_slice %arg6[%add3A_109, %dma_wait3A_110] : memref<160x128xi32, #tpu.memory_space<vmem>> -> memref<1x128xi32, #tpu.memory_space<vmem>>
      %dma_wait3A_112 = tpu.memref_squeeze %dma_wait3A_111 : memref<1x128xi32, #tpu.memory_space<vmem>> -> memref<128xi32, #tpu.memory_space<vmem>>
      %dma_wait3A_113 = arith.constant 0 : i32
      %dma_wait3A_114 = arith.constant 0 : i32
      %dma_wait3A_115 = tpu.memref_slice %arg2[%dma_wait3A_113, %dma_wait3A_114] : memref<20000x64xf32, #tpu.memory_space<hbm>> -> memref<20000x64xf32, #tpu.memory_space<hbm>>
      tpu.wait_indirect_dma semaphore(%arg13 : memref<!tpu.dma_semaphore, #tpu.memory_space<semaphore_mem>>) src(%dma_wait3A_115 : memref<20000x64xf32, #tpu.memory_space<hbm>>) dst(%arg8 : memref<128x64xf32, #tpu.memory_space<vmem>>)
      %add3A_116 = arith.constant 3 : i32
      %add3A_117 = arith.addi %mul3A_58, %add3A_116 : i32
      "tpu.region"() ({
        %run_scoped3A = tpu.sem_alloc : memref<!tpu.dma_semaphore, #tpu.memory_space<semaphore_mem>>
        %dma_start3A_119 = arith.constant 0 : i32
        %dma_start3A_120 = tpu.memref_slice %arg7[%add3A_117, %dma_start3A_119] : memref<160x128xi32, #tpu.memory_space<vmem>> -> memref<1x128xi32, #tpu.memory_space<vmem>>
        %dma_start3A_121 = tpu.memref_squeeze %dma_start3A_120 : memref<1x128xi32, #tpu.memory_space<vmem>> -> memref<128xi32, #tpu.memory_space<vmem>>
        %dma_start3A_122 = arith.constant 0 : i32
        %dma_start3A_123 = arith.constant 0 : i32
        %dma_start3A_124 = tpu.memref_slice %arg12[%dma_start3A_122, %dma_start3A_123] : memref<10112x64xf32, #tpu.memory_space<vmem_shared>> -> memref<10112x64xf32, #tpu.memory_space<vmem_shared>>
        tpu.enqueue_indirect_dma source(%arg8 : memref<128x64xf32, #tpu.memory_space<vmem>>) target(%dma_start3A_124 : memref<10112x64xf32, #tpu.memory_space<vmem_shared>>) offsets(%dma_start3A_121 : memref<128xi32, #tpu.memory_space<vmem>>) semaphore(%run_scoped3A : memref<!tpu.dma_semaphore, #tpu.memory_space<semaphore_mem>>) {add = true}
        %dma_wait3A_125 = arith.constant 0 : i32
        %dma_wait3A_126 = tpu.memref_slice %arg7[%add3A_117, %dma_wait3A_125] : memref<160x128xi32, #tpu.memory_space<vmem>> -> memref<1x128xi32, #tpu.memory_space<vmem>>
        %dma_wait3A_127 = tpu.memref_squeeze %dma_wait3A_126 : memref<1x128xi32, #tpu.memory_space<vmem>> -> memref<128xi32, #tpu.memory_space<vmem>>
        %dma_wait3A_128 = arith.constant 0 : i32
        %dma_wait3A_129 = arith.constant 0 : i32
        %dma_wait3A_130 = tpu.memref_slice %arg12[%dma_wait3A_128, %dma_wait3A_129] : memref<10112x64xf32, #tpu.memory_space<vmem_shared>> -> memref<10112x64xf32, #tpu.memory_space<vmem_shared>>
        tpu.wait_indirect_dma semaphore(%run_scoped3A : memref<!tpu.dma_semaphore, #tpu.memory_space<semaphore_mem>>) src(%arg8 : memref<128x64xf32, #tpu.memory_space<vmem>>) dst(%dma_wait3A_130 : memref<10112x64xf32, #tpu.memory_space<vmem_shared>>)
        tpu.yield
      }) : () -> ()
      %scan3A_118 = arith.constant 0 : i32
      scf.yield %scan3A_118 : i32
    }
    %scan3A_51 = arith.constant 40 : i32
    %barrier3A_52 = arith.constant 0 : index
    tpu.barrier barrier_id(%barrier3A_52)
    %mul3A_53 = arith.constant 64 : i32
    %mul3A_54 = arith.muli %arg0, %mul3A_53 : i32
    "tpu.region"() ({
      %run_scoped3A = tpu.sem_alloc : memref<!tpu.dma_semaphore, #tpu.memory_space<semaphore_mem>>
      %dma_start3A_55 = tpu.memref_slice %arg5[%mul3A_35, %mul3A_54] : memref<10112x128xf32, #tpu.memory_space<hbm>> -> memref<632x64xf32, #tpu.memory_space<hbm>>
      %dma_start3A_56 = arith.constant 0 : i32
      %dma_start3A_57 = tpu.memref_slice %arg12[%mul3A_35, %dma_start3A_56] : memref<10112x64xf32, #tpu.memory_space<vmem_shared>> -> memref<632x64xf32, #tpu.memory_space<vmem_shared>>
      tpu.enqueue_dma source(%dma_start3A_57 : memref<632x64xf32, #tpu.memory_space<vmem_shared>>) target(%dma_start3A_55 : memref<632x64xf32, #tpu.memory_space<hbm>>) target_semaphore(%run_scoped3A : memref<!tpu.dma_semaphore, #tpu.memory_space<semaphore_mem>>)
      %dma_wait3A = tpu.memref_slice %arg5[%mul3A_35, %mul3A_54] : memref<10112x128xf32, #tpu.memory_space<hbm>> -> memref<632x64xf32, #tpu.memory_space<hbm>>
      %dma_wait3A_58 = arith.constant 0 : i32
      %dma_wait3A_59 = tpu.memref_slice %arg12[%mul3A_35, %dma_wait3A_58] : memref<10112x64xf32, #tpu.memory_space<vmem_shared>> -> memref<632x64xf32, #tpu.memory_space<vmem_shared>>
      tpu.wait_dma2 semaphore(%run_scoped3A : memref<!tpu.dma_semaphore, #tpu.memory_space<semaphore_mem>>) src(%dma_wait3A_59 : memref<632x64xf32, #tpu.memory_space<vmem_shared>>) dst(%dma_wait3A : memref<632x64xf32, #tpu.memory_space<hbm>>)
      tpu.yield
    }) : () -> ()
    return
  }
}

module attributes {stable_mosaic.version = 14 : i64} {
  func.func @body(%arg0: i32, %arg1: memref<2000x128xf32, #tpu.memory_space<vmem>>, %arg2: memref<128x128xf32, #tpu.memory_space<vmem>>, %arg3: memref<2000x128xf32, #tpu.memory_space<vmem>>) attributes {dimension_semantics = [#tpu.dimension_semantics<arbitrary>], iteration_bounds = array<i64: 5>, scalar_prefetch = 0 : i64, scratch_operands = 0 : i64, tpu.core_type = #tpu.core_type<tc>, window_params = [{transform_indices = @transform_0, window_bounds = array<i64: 2000, 128>}, {pipeline_mode = #tpu.pipeline_mode<synchronous>, transform_indices = @transform_1, window_bounds = array<i64: 128, 128>}, {transform_indices = @transform_2, window_bounds = array<i64: 2000, 128>}]} {
    %get3A = arith.constant 0 : index
    %get3A_0 = arith.constant 0 : index
    %get3A_1 = vector.load %arg1[%get3A, %get3A_0] : memref<2000x128xf32, #tpu.memory_space<vmem>>, vector<2000x128xf32>
    %get3A_2 = arith.constant 0 : index
    %get3A_3 = arith.constant 0 : index
    %get3A_4 = vector.load %arg2[%get3A_2, %get3A_3] : memref<128x128xf32, #tpu.memory_space<vmem>>, vector<128x128xf32>
    %dot_general3A = arith.constant dense<0.000000e+00> : vector<2000x128xf32>
    %dot_general3A_5 = tpu.matmul %get3A_1, %get3A_4, %dot_general3A {dimension_numbers = #tpu.dot_dimension_numbers<[1], [1], [0], [0], [0, 0, 1, 0], [], []>, transpose_lhs_hint = false} : vector<2000x128xf32>, vector<128x128xf32>, vector<2000x128xf32> -> vector<2000x128xf32>
    %swap3A = arith.constant 0 : index
    %swap3A_6 = arith.constant 0 : index
    %swap3A_7 = vector.load %arg3[%swap3A, %swap3A_6] : memref<2000x128xf32, #tpu.memory_space<vmem>>, vector<2000x128xf32>
    tpu.vector_store %arg3[%swap3A, %swap3A_6], %dot_general3A_5 {strides = array<i32>} : memref<2000x128xf32, #tpu.memory_space<vmem>>, vector<2000x128xf32>,
    return
  }
  func.func @transform_0(%arg0: i32) -> (i32, i32) {
    %c0_i32 = arith.constant 0 : i32
    %c0_i32_0 = arith.constant 0 : i32
    return %arg0, %c0_i32 : i32, i32
  }
  func.func @transform_1(%arg0: i32) -> (i32, i32) {
    %c0_i32 = arith.constant 0 : i32
    %c0_i32_0 = arith.constant 0 : i32
    %c0_i32_1 = arith.constant 0 : i32
    return %c0_i32, %c0_i32_0 : i32, i32
  }
  func.func @transform_2(%arg0: i32) -> (i32, i32) {
    %c0_i32 = arith.constant 0 : i32
    %c0_i32_0 = arith.constant 0 : i32
    return %arg0, %c0_i32 : i32, i32
  }
}

module attributes {stable_mosaic.version = 14 : i64} {
  func.func @body(%arg0: i32, %arg1: memref<2000x128xf32, #tpu.memory_space<vmem>>, %arg2: memref<2000x128xf32, #tpu.memory_space<vmem>>, %arg3: memref<1x128xf32, #tpu.memory_space<vmem>>, %arg4: memref<2000x128xf32, #tpu.memory_space<vmem>>, %arg5: memref<128x128xf32, #tpu.memory_space<vmem>>, %arg6: memref<128x128xf32, #tpu.memory_space<vmem>>, %arg7: memref<2000x128xf32, #tpu.memory_space<vmem>>, %arg8: memref<2000x128xf32, #tpu.memory_space<vmem>>) attributes {dimension_semantics = [#tpu.dimension_semantics<arbitrary>], iteration_bounds = array<i64: 5>, scalar_prefetch = 0 : i64, scratch_operands = 0 : i64, tpu.core_type = #tpu.core_type<tc>, window_params = [{transform_indices = @transform_0, window_bounds = array<i64: 2000, 128>}, {transform_indices = @transform_1, window_bounds = array<i64: 2000, 128>}, {pipeline_mode = #tpu.pipeline_mode<synchronous>, transform_indices = @transform_2, window_bounds = array<i64: 1, 128>}, {transform_indices = @transform_3, window_bounds = array<i64: 2000, 128>}, {pipeline_mode = #tpu.pipeline_mode<synchronous>, transform_indices = @transform_4, window_bounds = array<i64: 128, 128>}, {pipeline_mode = #tpu.pipeline_mode<synchronous>, transform_indices = @transform_5, window_bounds = array<i64: 128, 128>}, {transform_indices = @transform_6, window_bounds = array<i64: 2000, 128>}, {transform_indices = @transform_7, window_bounds = array<i64: 2000, 128>}]} {
    %get3A = arith.constant 0 : index
    %get3A_0 = arith.constant 0 : index
    %get3A_1 = vector.load %arg2[%get3A, %get3A_0] : memref<2000x128xf32, #tpu.memory_space<vmem>>, vector<2000x1xf32>
    %get3A_2 = arith.constant 0 : index
    %get3A_3 = arith.constant 16 : index
    %get3A_4 = vector.load %arg2[%get3A_2, %get3A_3] : memref<2000x128xf32, #tpu.memory_space<vmem>>, vector<2000x1xf32>
    %add3A = arith.addf %get3A_1, %get3A_4 : vector<2000x1xf32>
    %get3A_5 = arith.constant 0 : index
    %get3A_6 = arith.constant 0 : index
    %get3A_7 = vector.load %arg1[%get3A_5, %get3A_6] : memref<2000x128xf32, #tpu.memory_space<vmem>>, vector<2000x128xf32>
    %max3A = arith.constant 1.000000e+00 : f32
    %max3A_8 = vector.broadcast %max3A : f32 to vector<2000x1xf32>
    %max3A_9 = arith.maximumf %add3A, %max3A_8 : vector<2000x1xf32>
    %div3A = arith.constant 1.000000e+00 : f32
    %div3A_10 = vector.broadcast %div3A : f32 to vector<2000x1xf32>
    %div3A_11 = arith.divf %div3A_10, %max3A_9 : vector<2000x1xf32>
    %mul3A = vector.broadcast %div3A_11 : vector<2000x1xf32> to vector<2000x128xf32>
    %mul3A_12 = arith.mulf %get3A_7, %mul3A : vector<2000x128xf32>
    %get3A_13 = arith.constant 0 : index
    %get3A_14 = arith.constant 0 : index
    %get3A_15 = vector.load %arg3[%get3A_13, %get3A_14] : memref<1x128xf32, #tpu.memory_space<vmem>>, vector<1x128xf32>
    %add3A_16 = vector.broadcast %get3A_15 : vector<1x128xf32> to vector<2000x128xf32>
    %add3A_17 = arith.addf %mul3A_12, %add3A_16 : vector<2000x128xf32>
    %get3A_18 = arith.constant 0 : index
    %get3A_19 = arith.constant 0 : index
    %get3A_20 = vector.load %arg4[%get3A_18, %get3A_19] : memref<2000x128xf32, #tpu.memory_space<vmem>>, vector<2000x128xf32>
    %get3A_21 = arith.constant 0 : index
    %get3A_22 = arith.constant 0 : index
    %get3A_23 = vector.load %arg5[%get3A_21, %get3A_22] : memref<128x128xf32, #tpu.memory_space<vmem>>, vector<128x128xf32>
    %dot_general3A = arith.constant dense<0.000000e+00> : vector<2000x128xf32>
    %dot_general3A_24 = tpu.matmul %get3A_20, %get3A_23, %dot_general3A {dimension_numbers = #tpu.dot_dimension_numbers<[1], [1], [0], [0], [0, 0, 1, 0], [], []>, transpose_lhs_hint = false} : vector<2000x128xf32>, vector<128x128xf32>, vector<2000x128xf32> -> vector<2000x128xf32>
    %add3A_25 = arith.addf %add3A_17, %dot_general3A_24 : vector<2000x128xf32>
    %max3A_26 = arith.constant 0.000000e+00 : f32
    %max3A_27 = vector.broadcast %max3A_26 : f32 to vector<2000x128xf32>
    %max3A_28 = arith.maximumf %add3A_25, %max3A_27 : vector<2000x128xf32>
    %swap3A = arith.constant 0 : index
    %swap3A_29 = arith.constant 0 : index
    %swap3A_30 = vector.load %arg7[%swap3A, %swap3A_29] : memref<2000x128xf32, #tpu.memory_space<vmem>>, vector<2000x128xf32>
    tpu.vector_store %arg7[%swap3A, %swap3A_29], %max3A_28 {strides = array<i32>} : memref<2000x128xf32, #tpu.memory_space<vmem>>, vector<2000x128xf32>,
    %get3A_31 = arith.constant 0 : index
    %get3A_32 = arith.constant 0 : index
    %get3A_33 = vector.load %arg6[%get3A_31, %get3A_32] : memref<128x128xf32, #tpu.memory_space<vmem>>, vector<128x128xf32>
    %dot_general3A_34 = arith.constant dense<0.000000e+00> : vector<2000x128xf32>
    %dot_general3A_35 = tpu.matmul %max3A_28, %get3A_33, %dot_general3A_34 {dimension_numbers = #tpu.dot_dimension_numbers<[1], [1], [0], [0], [0, 0, 1, 0], [], []>, transpose_lhs_hint = false} : vector<2000x128xf32>, vector<128x128xf32>, vector<2000x128xf32> -> vector<2000x128xf32>
    %swap3A_36 = arith.constant 0 : index
    %swap3A_37 = arith.constant 0 : index
    %swap3A_38 = vector.load %arg8[%swap3A_36, %swap3A_37] : memref<2000x128xf32, #tpu.memory_space<vmem>>, vector<2000x128xf32>
    tpu.vector_store %arg8[%swap3A_36, %swap3A_37], %dot_general3A_35 {strides = array<i32>} : memref<2000x128xf32, #tpu.memory_space<vmem>>, vector<2000x128xf32>,
    return
  }
  func.func @transform_0(%arg0: i32) -> (i32, i32) {
    %c0_i32 = arith.constant 0 : i32
    %c0_i32_0 = arith.constant 0 : i32
    return %arg0, %c0_i32 : i32, i32
  }
  func.func @transform_1(%arg0: i32) -> (i32, i32) {
    %c0_i32 = arith.constant 0 : i32
    %c0_i32_0 = arith.constant 0 : i32
    return %arg0, %c0_i32 : i32, i32
  }
  func.func @transform_2(%arg0: i32) -> (i32, i32) {
    %c0_i32 = arith.constant 0 : i32
    %c0_i32_0 = arith.constant 0 : i32
    %c0_i32_1 = arith.constant 0 : i32
    return %c0_i32, %c0_i32_0 : i32, i32
  }
  func.func @transform_3(%arg0: i32) -> (i32, i32) {
    %c0_i32 = arith.constant 0 : i32
    %c0_i32_0 = arith.constant 0 : i32
    return %arg0, %c0_i32 : i32, i32
  }
  func.func @transform_4(%arg0: i32) -> (i32, i32) {
    %c0_i32 = arith.constant 0 : i32
    %c0_i32_0 = arith.constant 0 : i32
    %c0_i32_1 = arith.constant 0 : i32
    return %c0_i32, %c0_i32_0 : i32, i32
  }
  func.func @transform_5(%arg0: i32) -> (i32, i32) {
    %c0_i32 = arith.constant 0 : i32
    %c0_i32_0 = arith.constant 0 : i32
    %c0_i32_1 = arith.constant 0 : i32
    return %c0_i32, %c0_i32_0 : i32, i32
  }
  func.func @transform_6(%arg0: i32) -> (i32, i32) {
    %c0_i32 = arith.constant 0 : i32
    %c0_i32_0 = arith.constant 0 : i32
    return %arg0, %c0_i32 : i32, i32
  }
  func.func @transform_7(%arg0: i32) -> (i32, i32) {
    %c0_i32 = arith.constant 0 : i32
    %c0_i32_0 = arith.constant 0 : i32
    return %arg0, %c0_i32 : i32, i32
  }
}

module attributes {stable_mosaic.version = 14 : i64} {
  func.func @body(%arg0: i32, %arg1: memref<2000x128xf32, #tpu.memory_space<vmem>>, %arg2: memref<2000x128xf32, #tpu.memory_space<vmem>>, %arg3: memref<1x128xf32, #tpu.memory_space<vmem>>, %arg4: memref<2000x128xf32, #tpu.memory_space<vmem>>, %arg5: memref<128x128xf32, #tpu.memory_space<vmem>>, %arg6: memref<2000x128xf32, #tpu.memory_space<vmem>>) attributes {dimension_semantics = [#tpu.dimension_semantics<arbitrary>], iteration_bounds = array<i64: 5>, scalar_prefetch = 0 : i64, scratch_operands = 0 : i64, tpu.core_type = #tpu.core_type<tc>, window_params = [{transform_indices = @transform_0, window_bounds = array<i64: 2000, 128>}, {transform_indices = @transform_1, window_bounds = array<i64: 2000, 128>}, {pipeline_mode = #tpu.pipeline_mode<synchronous>, transform_indices = @transform_2, window_bounds = array<i64: 1, 128>}, {transform_indices = @transform_3, window_bounds = array<i64: 2000, 128>}, {pipeline_mode = #tpu.pipeline_mode<synchronous>, transform_indices = @transform_4, window_bounds = array<i64: 128, 128>}, {transform_indices = @transform_5, window_bounds = array<i64: 2000, 128>}]} {
    %get3A = arith.constant 0 : index
    %get3A_0 = arith.constant 0 : index
    %get3A_1 = vector.load %arg2[%get3A, %get3A_0] : memref<2000x128xf32, #tpu.memory_space<vmem>>, vector<2000x1xf32>
    %get3A_2 = arith.constant 0 : index
    %get3A_3 = arith.constant 16 : index
    %get3A_4 = vector.load %arg2[%get3A_2, %get3A_3] : memref<2000x128xf32, #tpu.memory_space<vmem>>, vector<2000x1xf32>
    %add3A = arith.addf %get3A_1, %get3A_4 : vector<2000x1xf32>
    %get3A_5 = arith.constant 0 : index
    %get3A_6 = arith.constant 0 : index
    %get3A_7 = vector.load %arg1[%get3A_5, %get3A_6] : memref<2000x128xf32, #tpu.memory_space<vmem>>, vector<2000x128xf32>
    %max3A = arith.constant 1.000000e+00 : f32
    %max3A_8 = vector.broadcast %max3A : f32 to vector<2000x1xf32>
    %max3A_9 = arith.maximumf %add3A, %max3A_8 : vector<2000x1xf32>
    %div3A = arith.constant 1.000000e+00 : f32
    %div3A_10 = vector.broadcast %div3A : f32 to vector<2000x1xf32>
    %div3A_11 = arith.divf %div3A_10, %max3A_9 : vector<2000x1xf32>
    %mul3A = vector.broadcast %div3A_11 : vector<2000x1xf32> to vector<2000x128xf32>
    %mul3A_12 = arith.mulf %get3A_7, %mul3A : vector<2000x128xf32>
    %get3A_13 = arith.constant 0 : index
    %get3A_14 = arith.constant 0 : index
    %get3A_15 = vector.load %arg3[%get3A_13, %get3A_14] : memref<1x128xf32, #tpu.memory_space<vmem>>, vector<1x128xf32>
    %add3A_16 = vector.broadcast %get3A_15 : vector<1x128xf32> to vector<2000x128xf32>
    %add3A_17 = arith.addf %mul3A_12, %add3A_16 : vector<2000x128xf32>
    %get3A_18 = arith.constant 0 : index
    %get3A_19 = arith.constant 0 : index
    %get3A_20 = vector.load %arg4[%get3A_18, %get3A_19] : memref<2000x128xf32, #tpu.memory_space<vmem>>, vector<2000x128xf32>
    %get3A_21 = arith.constant 0 : index
    %get3A_22 = arith.constant 0 : index
    %get3A_23 = vector.load %arg5[%get3A_21, %get3A_22] : memref<128x128xf32, #tpu.memory_space<vmem>>, vector<128x128xf32>
    %dot_general3A = arith.constant dense<0.000000e+00> : vector<2000x128xf32>
    %dot_general3A_24 = tpu.matmul %get3A_20, %get3A_23, %dot_general3A {dimension_numbers = #tpu.dot_dimension_numbers<[1], [1], [0], [0], [0, 0, 1, 0], [], []>, transpose_lhs_hint = false} : vector<2000x128xf32>, vector<128x128xf32>, vector<2000x128xf32> -> vector<2000x128xf32>
    %add3A_25 = arith.addf %add3A_17, %dot_general3A_24 : vector<2000x128xf32>
    %swap3A = arith.constant 0 : index
    %swap3A_26 = arith.constant 0 : index
    %swap3A_27 = vector.load %arg6[%swap3A, %swap3A_26] : memref<2000x128xf32, #tpu.memory_space<vmem>>, vector<2000x128xf32>
    tpu.vector_store %arg6[%swap3A, %swap3A_26], %add3A_25 {strides = array<i32>} : memref<2000x128xf32, #tpu.memory_space<vmem>>, vector<2000x128xf32>,
    return
  }
  func.func @transform_0(%arg0: i32) -> (i32, i32) {
    %c0_i32 = arith.constant 0 : i32
    %c0_i32_0 = arith.constant 0 : i32
    return %arg0, %c0_i32 : i32, i32
  }
  func.func @transform_1(%arg0: i32) -> (i32, i32) {
    %c0_i32 = arith.constant 0 : i32
    %c0_i32_0 = arith.constant 0 : i32
    return %arg0, %c0_i32 : i32, i32
  }
  func.func @transform_2(%arg0: i32) -> (i32, i32) {
    %c0_i32 = arith.constant 0 : i32
    %c0_i32_0 = arith.constant 0 : i32
    %c0_i32_1 = arith.constant 0 : i32
    return %c0_i32, %c0_i32_0 : i32, i32
  }
  func.func @transform_3(%arg0: i32) -> (i32, i32) {
    %c0_i32 = arith.constant 0 : i32
    %c0_i32_0 = arith.constant 0 : i32
    return %arg0, %c0_i32 : i32, i32
  }
  func.func @transform_4(%arg0: i32) -> (i32, i32) {
    %c0_i32 = arith.constant 0 : i32
    %c0_i32_0 = arith.constant 0 : i32
    %c0_i32_1 = arith.constant 0 : i32
    return %c0_i32, %c0_i32_0 : i32, i32
  }
  func.func @transform_5(%arg0: i32) -> (i32, i32) {
    %c0_i32 = arith.constant 0 : i32
    %c0_i32_0 = arith.constant 0 : i32
    return %arg0, %c0_i32 : i32, i32
  }
}

</mosaic_0001>

<sc_bundles>
// kernel: kernel.10.cloned.1.call-start
scs
__scs_entry_jumppad:
0x0: {  	(pc) =	sbr.rel $0x88, $3  }
0x1: {  	(tag) =	ssettag $0x0;
	lr =	simm.s32 $0x1  }
0x2: {  	[smem:$0x3F99] =	sst lr;
	_ =	strace $0xD0000000  }
0x3: {  	_ = 	snop  }
0x4: {  	_ = 	snop  }
0x5: {  	_ = 	snop  }
0x6: {  	_ = 	snop  }
0x7: {  	_ = 	snop  }
__scs_overlays_trampoline_lowered:
0x8: {  	[smem:$0x3FA8] =	sst s0  }
0x9: {  	[smem:$0x3FA9] =	sst s1  }
0xa: {  	[smem:$0x3FAA] =	sst s2  }
0xb: {  	[smem:$0x3FAB] =	sst s3  }
0xc: {  	[smem:$0x3FAC] =	sst s4  }
0xd: {  	[smem:$0x3FAD] =	sst s5  }
0xe: {  	[smem:$0x3FAE] =	sst s6  }
0xf: {  	[smem:$0x3FAF] =	sst s7  }
0x10: {  	[smem:$0x3FB0] =	sst s8  }
0x11: {  	[smem:$0x3FB1] =	sst s9;
	s0 =	simm.s32 @!p0 $0x0  }
0x12: {  	s1 =	sld [smem:$0x3F97];
	s0 =	simm.s32 @p0 $0x1  }
0x13: {  	[smem:$0x3FB2] =	sst s0;
	s0 =	simm.s32 @!p1 $0x0  }
0x14: {  	s2 =	sld [smem:$0x3F96];
	s0 =	simm.s32 @p1 $0x1  }
0x15: {  	[smem:$0x3FB3] =	sst s0;
	s0 =	simm.s32 @!p2 $0x0  }
0x16: {  	s3 =	sld [smem:$0x3FDB];
	s0 =	simm.s32 @p2 $0x1  }
0x17: {  	s4 =	simm.s32 $0x1BF5;
	[smem:$0x3FB5] =	sst s0  }
0x18: {  	s0 =	sld [smem:$0x3F98];
	_ =	swait.ge [sflag:s4], $0x0  }
0x19: {  	s7 =	sld [smem:$0x3F99]  }
0x1a: {  	s8 =	sadd.s32 $0xFFFFE003, lr  }
0x1b: {  	s9 =	sadd.s32 $0xFFFFFEF7, lr;
	s5 =	simm.s32 $0xFFFFFFFF;
	p2 =	slt.u32 s8, $0xFFFFF086  }
0x1c: {  	p1 =	slt.u32 s9, $0xF7A;
	s5 =	simm.s32 @!p2 $0x0  }
0x1d: {  	s5 =	simm.s32 @p1 $0x1;
	p0 =	seq.s32 s7, s2  }
0x1e: {  	s7 =	smul.u32 @!p0 $0xF7A, s2;
	p2 =	seq.s32 @!p0 s5, $0x0  }
0x1f: {  	s9 =	smul.u32 $0xF7A, s1;
	s8 =	simm.s32 @!p0 $0x1BF5;
	p2 =	por !p2, p0  }
0x20: {  	[sflag:s8] =	ssyncset.s32 @!p0 $0xFFFFF086;
	s6 =	sadd.s32 @!p0 s3, s7;
	s7 =	simm.s32 @!p0 $0x108  }
0x21: {  	s3 =	sadd.s32 s3, s9;
	s6 =	sadd.s32 @!p0 $0x88, s6;
	s7 =	simm.s32 @p2 $0x1082  }
0x22: {  	[simem:s7], [sflag:s8] =	dma.local @!p0 [hbm:s6], $0xF7A  }
0x23: {  	s9 =	sor.u32 $0xD0000000, s2;
	s6 =	simm.s32 $0x108;
	_ =	swait.ge @!p0 [sflag:s8], $0x0  }
0x24: {  	s3 =	sadd.s32 $0x88, s3;
	s6 =	simm.s32 @!p1 $0x1082;
	[sflag:s4] =	ssyncset.s32 $0xFFFFF086  }
0x25: {  	[simem:s6], [sflag:s4] =	dma.local [hbm:s3], $0xF7A  }
0x26: {  	[smem:$0x3F99] =	sst s1;
	(tag) =	ssettag s2;
	_ =	strace s9  }
0x27: {  	s1 =	sld [smem:$0x3FA9]  }
0x28: {  	s2 =	sld [smem:$0x3FAA]  }
0x29: {  	s4 =	sld [smem:$0x3FAC]  }
0x2a: {  	p0 =	seq.s32 s5, $0x0;
	s5 =	sld [smem:$0x3FAD]  }
0x2b: {  	s6 =	sld [smem:$0x3FAE]  }
0x2c: {  	s7 =	sld [smem:$0x3FAF]  }
0x2d: {  	s3 =	simm.s32 $0x108;
	s8 =	sld [smem:$0x3FB0]  }
0x2e: {  	s3 =	simm.s32 @!p0 $0x1082;
	s9 =	sld [smem:$0x3FB1]  }
0x2f: {  	lr =	sadd.s32 s0, s3;
	s0 =	sld [smem:$0x3FA8]  }
0x30: {  	s3 =	sld [smem:$0x3FAB]  }
0x31: {  	[smem:$0x3FB4] =	sst s10  }
0x32: {  	s10 =	sld [smem:$0x3FB2];
	_ =	sdelay $0x3  }
0x33: {  	p0 =	seq.s32 s10, $0x1;
	s10 =	sld [smem:$0x3FB4];
	_ =	sdelay $0x3  }
0x34: {  	[smem:$0x3FB4] =	sst s10  }
0x35: {  	s10 =	sld [smem:$0x3FB3];
	_ =	sdelay $0x3  }
0x36: {  	p1 =	seq.s32 s10, $0x1;
	s10 =	sld [smem:$0x3FB4];
	_ =	sdelay $0x3  }
0x37: {  	[smem:$0x3FB4] =	sst s10  }
0x38: {  	s10 =	sld [smem:$0x3FB5]  }
0x39: {  	_ = 	snop;
	(pc) =	sbr.ind lr, $3  }
0x3a: {  	_ = 	snop  }
0x3b: {  	_ = 	snop  }
0x3c: {  	p2 =	seq.s32 s10, $0x1;
	s10 =	sld [smem:$0x3FB4]  }
0x3d: {  	_ =	shalt  }
0x3e: {  	_ =	shalt  }
0x3f: {  	_ =	shalt  }
0x40: {  	_ =	shalt  }
0x41: {  	_ =	shalt  }
0x42: {  	_ =	shalt  }
0x43: {  	_ =	shalt  }
0x44: {  	_ =	shalt  }
0x45: {  	_ =	shalt  }
0x46: {  	_ =	shalt  }
0x47: {  	_ =	shalt  }
0x48: {  	_ =	shalt  }
0x49: {  	_ =	shalt  }
0x4a: {  	_ =	shalt  }
0x4b: {  	_ =	shalt  }
0x4c: {  	_ =	shalt  }
0x4d: {  	_ =	shalt  }
0x4e: {  	_ =	shalt  }
0x4f: {  	_ =	shalt  }
0x50: {  	_ =	shalt  }
0x51: {  	_ =	shalt  }
0x52: {  	_ =	shalt  }
0x53: {  	_ =	shalt  }
0x54: {  	_ =	shalt  }
0x55: {  	_ =	shalt  }
0x56: {  	_ =	shalt  }
0x57: {  	_ =	shalt  }
0x58: {  	_ =	shalt  }
0x59: {  	_ =	shalt  }
0x5a: {  	_ =	shalt  }
0x5b: {  	_ =	shalt  }
0x5c: {  	_ =	shalt  }
0x5d: {  	_ =	shalt  }
0x5e: {  	_ =	shalt  }
0x5f: {  	_ =	shalt  }
0x60: {  	_ =	shalt  }
0x61: {  	_ =	shalt  }
0x62: {  	_ =	shalt  }
0x63: {  	_ =	shalt  }
0x64: {  	_ =	shalt  }
0x65: {  	_ =	shalt  }
0x66: {  	_ =	shalt  }
0x67: {  	_ =	shalt  }
0x68: {  	_ =	shalt  }
0x69: {  	_ =	shalt  }
0x6a: {  	_ =	shalt  }
0x6b: {  	_ =	shalt  }
0x6c: {  	_ =	shalt  }
0x6d: {  	_ =	shalt  }
0x6e: {  	_ =	shalt  }
0x6f: {  	_ =	shalt  }
0x70: {  	_ =	shalt  }
0x71: {  	_ =	shalt  }
0x72: {  	_ =	shalt  }
0x73: {  	_ =	shalt  }
0x74: {  	_ =	shalt  }
0x75: {  	_ =	shalt  }
0x76: {  	_ =	shalt  }
0x77: {  	_ =	shalt  }
0x78: {  	_ =	shalt  }
0x79: {  	_ =	shalt  }
0x7a: {  	_ =	shalt  }
0x7b: {  	_ =	shalt  }
0x7c: {  	_ =	shalt  }
0x7d: {  	_ =	shalt  }
0x7e: {  	_ =	shalt  }
0x7f: {  	_ =	shalt  }
0x80: {  	_ =	shalt  }
0x81: {  	_ =	shalt  }
0x82: {  	_ =	shalt  }
0x83: {  	_ =	shalt  }
0x84: {  	_ =	shalt  }
0x85: {  	_ =	shalt  }
0x86: {  	_ =	shalt  }
0x87: {  	_ =	shalt  }
.Lfunc_end0:
.L_simem_size_0:
called_computation.1_lowered:
.L_overlay_start_0:
0x88: {  	s2 =	sld [smem:$0x3FD9]  }
0x89: {  	s3 =	sld [smem:$0x3FFE];
	_ =	sdelay $0x1  }
0x8a: {  	s1 =	srdreg.scid  }
0x8b: {  	s0 =	sand.u32 $0x1, s1  }
0x8c: {  	s17 =	sshll.u32 s0, $0xA;
	s2 =	sadd.s32 s3, s2  }
0x8d: {  	s2 =	sadd.s32 s2, s17  }
0x8e: {  	[smem:$0x3FC0] =	sst s2  }
0x8f: {  	_ = 	snop  }
0x90: {  	s2 =	sld [smem:$0x3FD0];
	(tm) =	ssettm $0x1  }
0x91: {  	s18 =	sld [smem:$0x3FFB];
	_ =	sdelay $0x3  }
0x92: {  	_ =	strace s18  }
0x93: {  	s3 =	sld [smem:$0x3FFC];
	_ =	sdelay $0x3  }
0x94: {  	_ =	strace s3  }
0x95: {  	s3 =	sld [smem:$0x3FFD];
	_ =	sdelay $0x3  }
0x96: {  	_ =	strace s3  }
0x97: {  	_ =	strace $0x8FFFFFFF  }
0x98: {  	s19 =	sld [smem:$0x3FDB];
	_ =	sdelay $0x1  }
0x99: {  	s4 =	simm.s32 $_scs_section_size  }
0x9a: {  	s5 =	simm.s32 $_size__tile_overlayer_lowered;
	s6 =	simm.s32 $_tile_overlayer_lowered  }
0x9b: {  	s22 =	simm.s32 $0x1BFF;
	s21 =	sshll.u32 s6, $0x1;
	s3 =	sadd.s32 s4, s19  }
0x9c: {  	s7 =	simm.s32 $0x0;
	s20 =	sshll.u32 s5, $0x1;
	s5 =	sadd.s32 s21, s3  }
0x9d: {  	[timem:s7], [sflag:s22] =	dma.local [hbm:s5], s20  }
0x9e: {  	_ =	swait.ge [sflag:s22], s20  }
0x9f: {  	s4 =	ssub.s32 $0x0, s20;
	[sflag:s22] =	ssyncset.done $0x0  }
0xa0: {  	[sflag:s22] =	ssyncadd.s32 s4;
	_ =	sdelay $0x1  }
0xa1: {  	s23 =	simm.s32 $0x1B8B  }
0xa2: {  	_ =	swait.ge [sflag:s23], $0x1  }
0xa3: {  	[sflag:s23] =	ssyncset.done $0x0  }
0xa4: {  	s25 =	simm.s32 $0x1B8E;
	s24 =	sld [smem:$0x3FFE];
	[sflag:s23] =	ssyncadd.s32 $0xFFFFFFFF  }
0xa5: {  	s26 =	simm.s32 $execute0_lowered;
	[smem:$0x3FD2] =	sst s25  }
0xa6: {  	s5 =	sshll.u32 s26, $0x1;
	_ =	strace $0x80000049;
	[dreg:$0x1] =	wrdreg $0xFFFFFFFF  }
0xa7: {  	s28 =	simm.s32 $_size_execute0_lowered;
	s3 =	sadd.s32 s3, s5;
	[dreg:$0x0] =	wrdreg $0x0  }
0xa8: {  	s5 =	sshll.u32 s28, $0x1;
	[dreg:$0x2] =	wrdreg s3  }
0xa9: {  	[dreg:$0x3] =	wrdreg s5  }
0xaa: {  	[dreg:$0x4] =	wrdreg $0xC0  }
0xab: {  	_ =	task [dreg:s7], $0x5FFFF  }
0xac: {  	[dreg:$0x1] =	wrdreg $0xFFFFFFFF  }
0xad: {  	[dreg:$0x0] =	wrdreg $0x60  }
0xae: {  	[dreg:$0x2] =	wrdreg s2  }
0xaf: {  	[dreg:$0x3] =	wrdreg s24  }
0xb0: {  	[dreg:$0x4] =	wrdreg $0x120000  }
0xb1: {  	[dreg:$0x5] =	wrdreg $0x9  }
0xb2: {  	_ =	task.clear_ibuf [dreg:s7], $0x6FFFF;
	_ =	strace $0x90000049  }
0xb3: {  	s29 =	simm.s32 $0x9;
	_ =	strace $0x8000004B  }
0xb4: {  	_ =	swait.ge [sflag:s29], $0x1  }
0xb5: {  	[sflag:s29] =	ssyncadd.s32 $0xFFFFFFFF  }
0xb6: {  	_ =	strace $0x9000004B  }
0xb7: {  	_ =	sfence  }
0xb8: {  	s30 =	sld [smem:$0x0];
	_ =	sdelay $0x2  }
0xb9: {  	s31 =	sshll.u32 s1, $0xD;
	s1 =	sshrl.u32 s1, $0x2  }
0xba: {  	s3 =	sand.u32 $0x4000, s31;
	s1 =	sadd.s32 s1, s30  }
0xbb: {  	s0 =	sor.u32 s3, s0;
	s1 =	sshll.u32 s1, $0x11  }
0xbc: {  	s0 =	sor.u32 s1, s0  }
0xbd: {  	s0 =	sadd.s32 $0x8F2B, s0  }
0xbe: {  	[sflag:s0] =	ssyncadd.remote.s32 $0x1  }
0xbf: {  	_ =	sfence.sel $0xFFFF  }
0xc0: {  	[dreg:$0x0] =	wrdreg $0xFFFFFFFF;
	(pc) =	sbr.abs _section_cstart, $3  }
0xc1: {  	[dreg:$0x1] =	wrdreg $0xFFFFFFFF  }
0xc2: {  	_ =	task.clear_ibuf [dreg:s7], $0x2FFFF;
	_ =	strace $0x9FFFFFFF  }
0xc3: {  	(tm) =	ssettm $0x7FFFFFFF  }
tec
execute0_lowered:
.L_overlay_start_1:
0x0: {  	(tag) =	ssettag $0x1  }
0x1: {  	s2 =	rddreg [dreg:$0x0]  }
0x2: {  	s0 =	rddreg [dreg:$0x1]  }
0x3: {  	s3 =	rddreg [dreg:$0x2]  }
0x4: {  	s8 =	stileid.u32;
	s1 =	srdreg.scid  }
0x5: {  	s4 =	simm.s32 $0x0;
	s14 =	simm.s32 $0x5;
	s16 =	simm.s32 $0x80  }
0x6: {  	s17 =	simm.s32 $0xC000;
	s18 =	simm.s32 $0xE000;
	s20 =	simm.s32 $0x10000  }
0x7: {  	s21 =	simm.s32 $0xA000;
	s22 =	simm.s32 $0x2;
	s23 =	simm.s32 $0x3  }
0x8: {  	s24 =	simm.s32 $0x4;
	s25 =	simm.s32 $0x1;
	s31 =	simm.s32 $0x9F80  }
0x9: {  	s15 =	simm.s32 $0x8;
	s19 =	simm.s32 $0x0;
	s5 =	smul.u32 $0x13C00, s8  }
0xa: {  	s1 =	sand.u32 $0x1, s1;
	[smem:$0x7FF] =	sst s4;
	s6 =	smul.u32 $0xA00, s8  }
0xb: {  	s26 =	smul.u32 $0x27800, s8;
	s7 =	sshll.u32 s1, $0x6;
	_ =	strace $0x8000004A  }
0xc: {  	s29 =	ssub.s32 $0x2, s1;
	s5 =	sor.u32 s7, s5;
	s28 =	sadd.s32 s6, s0  }
0xd: {  	s30 =	sshrl.u32 s29, $0x1;
	s7 =	sshrl.u32 s26, $0x2;
	s5 =	sshrl.u32 s5, $0x3  }
0xe: {  	s13 =	ssub.s32 s29, s30;
	s6 =	sadd.s32 s7, s3;
	s7 =	sadd.s32 $0xC400, s28  }
0xf: {  	s0 =	sadd.s32 s5, s0;
	s5 =	sadd.s32 $0x2400, s28;
	s8 =	sadd.s32 $0x2000, s6  }
0x10: {  	s9 =	sadd.s32 $0x4000, s6;
	s10 =	sadd.s32 $0x6000, s6;
	s11 =	sadd.s32 $0x8000, s6  }
0x11: {  	v1 =	vimm.f32 $0.0e+00;
	v0 =	vmov s1;
	s13 =	smax.u32 s13, $0x1;
	s12 =	sadd.s32 $0x16400, s0;
	s0 =	simm.s32 $0x10  }
.LBB2_1:
0x12: {  	[tilespmem:s4], [sflag:$0x5] =	stream.linear.gather [hbm4b:s5+s4], $0x5000, $0x38;
	[tilespmem:$0x1BE00] =	vst v63  }
0x13: {  	_ =	swait.ge [sflag:s14], $0x5000  }
0x14: {  	[sflag:s14] =	ssyncset.done $0x0  }
0x15: {  	s1 =	simm.s32 $0x5000;
	[sflag:s14] =	ssyncadd.s32 $0xFFFFB000  }
0x16: {  	[tilespmem:s1], [sflag:$0x5] =	stream.linear.gather [hbm4b:s7+s4], $0x5000, $0x38;
	[tilespmem:$0x1BE00] =	vst v63  }
0x17: {  	s30 =	sand.u32 $0x1FE00, s4;
	_ =	swait.ge [sflag:s14], $0x5000  }
0x18: {  	s26 =	sand.u32 $0x70, s4;
	s1 =	sshrl.u32 s30, $0x2;
	[sflag:s14] =	ssyncset.done $0x0  }
0x19: {  	s1 =	sor.u32 s26, s1;
	[sflag:s14] =	ssyncadd.s32 $0xFFFFB000  }
0x1a: {  	v2 =	vld [tilespmem:s1+$0x0];
	_ =	sdelay $0x3  }
0x1b: {  	s30 =	simm.s32 $0x40  }
0x1c: {  	s28 =	simm.s32 $0x10;
	s29 =	sand.u32 $0x1FE00, s30;
	s26 =	simm.s32 $0x80;
	v2 =	vshll.u32 v2, $0x1  }
.LBB2_2:
0x1d: {  	p0 =	sne.s32 s26, $0x13FC0;
	s30 =	sand.u32 $0x70, s28;
	s29 =	sshrl.u32 s29, $0x2;
	v2 =	vor.u32 v0, v2  }
0x1e: {  	[tilespmem:s1+$0x0] =	vst v2;
	s1 =	sor.u32 s30, s29  }
0x1f: {  	v2 =	vld [tilespmem:s1+$0x0]  }
.Ltmp0:
0x20: {  	(pc) =	sbr.rel @p0 .LBB2_2-.Ltmp0, $2  }
0x21: {  	_ =	sdelay $0x2  }
0x22: {  	s28 =	sadd.s32 $0x10, s28;
	s29 =	sand.u32 $0x1FE00, s26;
	s26 =	sadd.s32 $0x40, s26;
	v2 =	vshll.u32 v2, $0x1  }
0x23: {  	s26 =	sand.u32 $0x70, s28;
	s28 =	sshrl.u32 s29, $0x2;
	v2 =	vor.u32 v0, v2  }
0x24: {  	s26 =	sor.u32 s26, s28;
	[tilespmem:s1+$0x0] =	vst v2  }
0x25: {  	v2 =	vld [tilespmem:s26+$0x0];
	_ =	sdelay $0x4  }
0x26: {  	v2 =	vshll.u32 v2, $0x1  }
0x27: {  	v2 =	vor.u32 v0, v2  }
0x28: {  	s1 =	simm.s32 $0x0;
	[tilespmem:s26+$0x0] =	vst v2  }
0x29: {  	[tilespmem:s17], [sflag:$0x2] =	stream.indirect.gather [hbm4b:s2+s16], $0x40, s1, s16, $0xb8;
	[tilespmem:$0x1BE00] =	vst v63  }
0x2a: {  	_ = 	snop  }
0x2b: {  	[tilespmem:s18], [sflag:$0x3] =	stream.indirect.gather [hbm4b:s2+s16], $0x40, s16, s16, $0xb8;
	[tilespmem:$0x1BE00] =	vst v63  }
0x2c: {  	s30 =	simm.s32 $0x100;
	s29 =	sand.u32 $0x7F00, s1  }
0x2d: {  	[tilespmem:s20], [sflag:$0x4] =	stream.indirect.gather [hbm4b:s2+s16], $0x40, s30, s16, $0xb8;
	[tilespmem:$0x1BE00] =	vst v63  }
0x2e: {  	s28 =	sand.u32 $0x30, s1;
	s30 =	sshrl.u32 s29, $0x2  }
0x2f: {  	s26 =	simm.s32 $0x40;
	s28 =	sor.u32 s28, s30  }
.LBB2_4:
0x30: {  	p0 =	sne.s32 s26, $0x7FC0  }
0x31: {  	[tilespmem:s28+$0xA000] =	vst v1;
	s1 =	sadd.s32 $0x10, s1;
	s28 =	smov.u32 s26;
	s26 =	sadd.s32 $0x40, s26  }
.Ltmp1:
0x32: {  	(pc) =	sbr.rel @p0 .LBB2_4-.Ltmp1, $4  }
0x33: {  	_ = 	snop  }
0x34: {  	s28 =	sand.u32 $0x7F00, s28  }
0x35: {  	s29 =	sand.u32 $0x30, s1;
	s28 =	sshrl.u32 s28, $0x2  }
0x36: {  	s28 =	sor.u32 s29, s28  }
0x37: {  	[tilespmem:s28+$0xA000] =	vst v1  }
0x38: {  	[spmem:s6] =	stream.linear.scatter [tilespmem:s21], [sflag:$0x5], $0x2000, $0x38;
	[tilespmem:$0x1BE00] =	vst v63  }
0x39: {  	_ =	swait.ge [sflag:s14], $0x2000  }
0x3a: {  	[sflag:s14] =	ssyncset.done $0x0  }
0x3b: {  	[sflag:s14] =	ssyncadd.s32 $0xFFFFE000  }
0x3c: {  	[spmem:s8] =	stream.linear.scatter [tilespmem:s21], [sflag:$0x5], $0x2000, $0x38;
	[tilespmem:$0x1BE00] =	vst v63  }
0x3d: {  	_ =	swait.ge [sflag:s14], $0x2000  }
0x3e: {  	[sflag:s14] =	ssyncset.done $0x0  }
0x3f: {  	[sflag:s14] =	ssyncadd.s32 $0xFFFFE000  }
0x40: {  	[spmem:s9] =	stream.linear.scatter [tilespmem:s21], [sflag:$0x5], $0x2000, $0x38;
	[tilespmem:$0x1BE00] =	vst v63  }
0x41: {  	_ =	swait.ge [sflag:s14], $0x2000  }
0x42: {  	[sflag:s14] =	ssyncset.done $0x0  }
0x43: {  	[sflag:s14] =	ssyncadd.s32 $0xFFFFE000  }
0x44: {  	[spmem:s10] =	stream.linear.scatter [tilespmem:s21], [sflag:$0x5], $0x2000, $0x38;
	[tilespmem:$0x1BE00] =	vst v63  }
0x45: {  	_ =	swait.ge [sflag:s14], $0x2000  }
0x46: {  	[sflag:s14] =	ssyncset.done $0x0  }
0x47: {  	[sflag:s14] =	ssyncadd.s32 $0xFFFFE000  }
0x48: {  	[spmem:s11] =	stream.linear.scatter [tilespmem:s21], [sflag:$0x5], $0x1E00, $0x38;
	[tilespmem:$0x1BE00] =	vst v63  }
0x49: {  	_ =	swait.ge [sflag:s14], $0x1E00  }
0x4a: {  	[sflag:s14] =	ssyncset.done $0x0  }
0x4b: {  	[sflag:s14] =	ssyncadd.s32 $0xFFFFE200  }
0x4c: {  	s1 =	simm.s32 $0x180;
	[bflag:$0x0] =	sbarrier.arrive $0xFFFF  }
0x4d: {  	[tilespmem:s21], [sflag:$0x1] =	stream.indirect.gather [hbm4b:s2+s16], $0x40, s1, s16, $0xb8;
	[tilespmem:$0x1BE00] =	vst v63  }
0x4e: {  	_ =	swait.ge [sflag:s22], $0x2000  }
0x4f: {  	[sflag:s22] =	ssyncset.done $0x0  }
0x50: {  	s30 =	simm.s32 $0x5000;
	[sflag:s22] =	ssyncadd.s32 $0xFFFFE000  }
0x51: {  	[spmem:s3] =	stream.indirect.scatter.add.f32 [tilespmem:s17], [sflag:$0x5], $0x40, s30, s16, $0xb8;
	[tilespmem:$0x1BE00] =	vst v63  }
0x52: {  	_ =	swait.ge [sflag:s14], $0x2000  }
0x53: {  	[sflag:s14] =	ssyncset.done $0x0  }
0x54: {  	s26 =	simm.s32 $0x200;
	[sflag:s14] =	ssyncadd.s32 $0xFFFFE000  }
0x55: {  	[tilespmem:s17], [sflag:$0x2] =	stream.indirect.gather [hbm4b:s2+s16], $0x40, s26, s16, $0xb8;
	[tilespmem:$0x1BE00] =	vst v63  }
0x56: {  	_ =	swait.ge [sflag:s23], $0x2000  }
0x57: {  	[sflag:s23] =	ssyncset.done $0x0  }
0x58: {  	s28 =	simm.s32 $0x5080;
	[sflag:s23] =	ssyncadd.s32 $0xFFFFE000  }
0x59: {  	[spmem:s3] =	stream.indirect.scatter.add.f32 [tilespmem:s18], [sflag:$0x5], $0x40, s28, s16, $0xb8;
	[tilespmem:$0x1BE00] =	vst v63  }
0x5a: {  	_ =	swait.ge [sflag:s14], $0x2000  }
0x5b: {  	[sflag:s14] =	ssyncset.done $0x0  }
0x5c: {  	s30 =	simm.s32 $0x280;
	[sflag:s14] =	ssyncadd.s32 $0xFFFFE000  }
0x5d: {  	[tilespmem:s18], [sflag:$0x3] =	stream.indirect.gather [hbm4b:s2+s16], $0x40, s30, s16, $0xb8;
	[tilespmem:$0x1BE00] =	vst v63  }
0x5e: {  	_ =	swait.ge [sflag:s24], $0x2000  }
0x5f: {  	[sflag:s24] =	ssyncset.done $0x0  }
0x60: {  	s26 =	simm.s32 $0x5100;
	[sflag:s24] =	ssyncadd.s32 $0xFFFFE000  }
0x61: {  	[spmem:s3] =	stream.indirect.scatter.add.f32 [tilespmem:s20], [sflag:$0x5], $0x40, s26, s16, $0xb8;
	[tilespmem:$0x1BE00] =	vst v63  }
0x62: {  	_ =	swait.ge [sflag:s14], $0x2000  }
0x63: {  	[sflag:s14] =	ssyncset.done $0x0  }
0x64: {  	s28 =	simm.s32 $0x300;
	[sflag:s14] =	ssyncadd.s32 $0xFFFFE000  }
0x65: {  	[tilespmem:s20], [sflag:$0x4] =	stream.indirect.gather [hbm4b:s2+s16], $0x40, s28, s16, $0xb8;
	[tilespmem:$0x1BE00] =	vst v63  }
0x66: {  	_ =	swait.ge [sflag:s25], $0x2000  }
0x67: {  	[sflag:s25] =	ssyncset.done $0x0  }
0x68: {  	s30 =	simm.s32 $0x5180;
	[sflag:s25] =	ssyncadd.s32 $0xFFFFE000  }
0x69: {  	[spmem:s3] =	stream.indirect.scatter.add.f32 [tilespmem:s21], [sflag:$0x5], $0x40, s30, s16, $0xb8;
	[tilespmem:$0x1BE00] =	vst v63  }
0x6a: {  	_ =	swait.ge [sflag:s14], $0x2000  }
0x6b: {  	s29 =	simm.s32 $0x1000;
	s1 =	simm.s32 $0x200;
	[sflag:s14] =	ssyncset.done $0x0  }
.LBB2_6:
0x6c: {  	s30 =	sadd.s32 $0x180, s1  }
0x6d: {  	[sflag:s14] =	ssyncadd.s32 $0xFFFFE000;
	s28 =	smov.u32 s29;
	s26 =	sadd.s32 $0x800, s29  }
0x6e: {  	[tilespmem:s21], [sflag:$0x1] =	stream.indirect.gather [hbm4b:s2+s16], $0x40, s30, s16, $0xb8;
	[tilespmem:$0x1BE00] =	vst v63  }
0x6f: {  	p0 =	sne.s32 s29, $0x13000;
	_ =	swait.ge [sflag:s22], $0x2000  }
0x70: {  	[sflag:s22] =	ssyncset.done $0x0  }
0x71: {  	s29 =	sadd.s32 $0x5000, s1;
	[sflag:s22] =	ssyncadd.s32 $0xFFFFE000  }
0x72: {  	[spmem:s3] =	stream.indirect.scatter.add.f32 [tilespmem:s17], [sflag:$0x5], $0x40, s29, s16, $0xb8;
	[tilespmem:$0x1BE00] =	vst v63  }
0x73: {  	_ =	swait.ge [sflag:s14], $0x2000  }
0x74: {  	[sflag:s14] =	ssyncset.done $0x0  }
0x75: {  	s29 =	sadd.s32 $0x200, s1;
	[sflag:s14] =	ssyncadd.s32 $0xFFFFE000  }
0x76: {  	[tilespmem:s17], [sflag:$0x2] =	stream.indirect.gather [hbm4b:s2+s16], $0x40, s29, s16, $0xb8;
	[tilespmem:$0x1BE00] =	vst v63  }
0x77: {  	_ =	swait.ge [sflag:s23], $0x2000  }
0x78: {  	[sflag:s23] =	ssyncset.done $0x0  }
0x79: {  	s29 =	sadd.s32 $0x5080, s1;
	[sflag:s23] =	ssyncadd.s32 $0xFFFFE000  }
0x7a: {  	[spmem:s3] =	stream.indirect.scatter.add.f32 [tilespmem:s18], [sflag:$0x5], $0x40, s29, s16, $0xb8;
	[tilespmem:$0x1BE00] =	vst v63  }
0x7b: {  	_ =	swait.ge [sflag:s14], $0x2000  }
0x7c: {  	[sflag:s14] =	ssyncset.done $0x0  }
0x7d: {  	s29 =	sadd.s32 $0x280, s1;
	[sflag:s14] =	ssyncadd.s32 $0xFFFFE000  }
0x7e: {  	[tilespmem:s18], [sflag:$0x3] =	stream.indirect.gather [hbm4b:s2+s16], $0x40, s29, s16, $0xb8;
	[tilespmem:$0x1BE00] =	vst v63  }
0x7f: {  	_ =	swait.ge [sflag:s24], $0x2000  }
0x80: {  	[sflag:s24] =	ssyncset.done $0x0  }
0x81: {  	s29 =	sadd.s32 $0x5100, s1;
	[sflag:s24] =	ssyncadd.s32 $0xFFFFE000  }
0x82: {  	[spmem:s3] =	stream.indirect.scatter.add.f32 [tilespmem:s20], [sflag:$0x5], $0x40, s29, s16, $0xb8;
	[tilespmem:$0x1BE00] =	vst v63  }
0x83: {  	_ =	swait.ge [sflag:s14], $0x2000  }
0x84: {  	[sflag:s14] =	ssyncset.done $0x0  }
0x85: {  	s29 =	sadd.s32 $0x300, s1;
	[sflag:s14] =	ssyncadd.s32 $0xFFFFE000  }
0x86: {  	[tilespmem:s20], [sflag:$0x4] =	stream.indirect.gather [hbm4b:s2+s16], $0x40, s29, s16, $0xb8;
	[tilespmem:$0x1BE00] =	vst v63  }
0x87: {  	_ =	swait.ge [sflag:s25], $0x2000  }
.Ltmp2:
0x88: {  	[sflag:s25] =	ssyncset.done $0x0;
	(pc) =	sbr.rel @p0 .LBB2_6-.Ltmp2, $4  }
0x89: {  	s1 =	sadd.s32 $0x5180, s1;
	[sflag:s25] =	ssyncadd.s32 $0xFFFFE000  }
0x8a: {  	[spmem:s3] =	stream.indirect.scatter.add.f32 [tilespmem:s21], [sflag:$0x5], $0x40, s1, s16, $0xb8;
	[tilespmem:$0x1BE00] =	vst v63  }
0x8b: {  	_ =	swait.ge [sflag:s14], $0x2000  }
0x8c: {  	s29 =	smov.u32 s26;
	s1 =	sshra.s32 s28, $0x2;
	[sflag:s14] =	ssyncset.done $0x0  }
0x8d: {  	s26 =	sadd.s32 $0x180, s1;
	[sflag:s14] =	ssyncadd.s32 $0xFFFFE000  }
0x8e: {  	[tilespmem:s21], [sflag:$0x1] =	stream.indirect.gather [hbm4b:s2+s16], $0x40, s26, s16, $0xb8;
	[tilespmem:$0x1BE00] =	vst v63  }
0x8f: {  	_ =	swait.ge [sflag:s22], $0x2000  }
0x90: {  	[sflag:s22] =	ssyncset.done $0x0  }
0x91: {  	s28 =	sadd.s32 $0x5000, s1;
	[sflag:s22] =	ssyncadd.s32 $0xFFFFE000  }
0x92: {  	[spmem:s3] =	stream.indirect.scatter.add.f32 [tilespmem:s17], [sflag:$0x5], $0x40, s28, s16, $0xb8;
	[tilespmem:$0x1BE00] =	vst v63  }
0x93: {  	_ =	swait.ge [sflag:s14], $0x2000  }
0x94: {  	[sflag:s14] =	ssyncset.done $0x0  }
0x95: {  	s29 =	sadd.s32 $0x200, s1;
	[sflag:s14] =	ssyncadd.s32 $0xFFFFE000  }
0x96: {  	[tilespmem:s17], [sflag:$0x2] =	stream.indirect.gather [hbm4b:s2+s16], $0x40, s29, s16, $0xb8;
	[tilespmem:$0x1BE00] =	vst v63  }
0x97: {  	_ =	swait.ge [sflag:s23], $0x2000  }
0x98: {  	[sflag:s23] =	ssyncset.done $0x0  }
0x99: {  	s30 =	sadd.s32 $0x5080, s1;
	[sflag:s23] =	ssyncadd.s32 $0xFFFFE000  }
0x9a: {  	[spmem:s3] =	stream.indirect.scatter.add.f32 [tilespmem:s18], [sflag:$0x5], $0x40, s30, s16, $0xb8;
	[tilespmem:$0x1BE00] =	vst v63  }
0x9b: {  	_ =	swait.ge [sflag:s14], $0x2000  }
0x9c: {  	[sflag:s14] =	ssyncset.done $0x0  }
0x9d: {  	s28 =	sadd.s32 $0x280, s1;
	[sflag:s14] =	ssyncadd.s32 $0xFFFFE000  }
0x9e: {  	[tilespmem:s18], [sflag:$0x3] =	stream.indirect.gather [hbm4b:s2+s16], $0x40, s28, s16, $0xb8;
	[tilespmem:$0x1BE00] =	vst v63  }
0x9f: {  	_ =	swait.ge [sflag:s24], $0x2000  }
0xa0: {  	[sflag:s24] =	ssyncset.done $0x0  }
0xa1: {  	s29 =	sadd.s32 $0x5100, s1;
	[sflag:s24] =	ssyncadd.s32 $0xFFFFE000  }
0xa2: {  	[spmem:s3] =	stream.indirect.scatter.add.f32 [tilespmem:s20], [sflag:$0x5], $0x40, s29, s16, $0xb8;
	[tilespmem:$0x1BE00] =	vst v63  }
0xa3: {  	_ =	swait.ge [sflag:s14], $0x2000  }
0xa4: {  	[sflag:s14] =	ssyncset.done $0x0  }
0xa5: {  	s30 =	sadd.s32 $0x300, s1;
	[sflag:s14] =	ssyncadd.s32 $0xFFFFE000  }
0xa6: {  	[tilespmem:s20], [sflag:$0x4] =	stream.indirect.gather [hbm4b:s2+s16], $0x40, s30, s16, $0xb8;
	[tilespmem:$0x1BE00] =	vst v63  }
0xa7: {  	_ =	swait.ge [sflag:s25], $0x2000  }
0xa8: {  	[sflag:s25] =	ssyncset.done $0x0  }
0xa9: {  	s28 =	sadd.s32 $0x5180, s1;
	[sflag:s25] =	ssyncadd.s32 $0xFFFFE000  }
0xaa: {  	[spmem:s3] =	stream.indirect.scatter.add.f32 [tilespmem:s21], [sflag:$0x5], $0x40, s28, s16, $0xb8;
	[tilespmem:$0x1BE00] =	vst v63  }
0xab: {  	_ =	swait.ge [sflag:s14], $0x2000  }
0xac: {  	[sflag:s14] =	ssyncset.done $0x0  }
0xad: {  	s29 =	simm.s32 $0x4F80;
	[sflag:s14] =	ssyncadd.s32 $0xFFFFE000  }
0xae: {  	[tilespmem:s21], [sflag:$0x1] =	stream.indirect.gather [hbm4b:s2+s16], $0x40, s29, s16, $0xb8;
	[tilespmem:$0x1BE00] =	vst v63  }
0xaf: {  	_ =	swait.ge [sflag:s22], $0x2000  }
0xb0: {  	[sflag:s22] =	ssyncset.done $0x0  }
0xb1: {  	s30 =	simm.s32 $0x9E00;
	[sflag:s22] =	ssyncadd.s32 $0xFFFFE000  }
0xb2: {  	[spmem:s3] =	stream.indirect.scatter.add.f32 [tilespmem:s17], [sflag:$0x5], $0x40, s30, s16, $0xb8;
	[tilespmem:$0x1BE00] =	vst v63  }
0xb3: {  	_ =	swait.ge [sflag:s14], $0x2000  }
0xb4: {  	[sflag:s14] =	ssyncset.done $0x0  }
0xb5: {  	[sflag:s14] =	ssyncadd.s32 $0xFFFFE000  }
0xb6: {  	_ =	swait.ge [sflag:s23], $0x2000  }
0xb7: {  	[sflag:s23] =	ssyncset.done $0x0  }
0xb8: {  	s26 =	simm.s32 $0x9E80;
	[sflag:s23] =	ssyncadd.s32 $0xFFFFE000  }
0xb9: {  	[spmem:s3] =	stream.indirect.scatter.add.f32 [tilespmem:s18], [sflag:$0x5], $0x40, s26, s16, $0xb8;
	[tilespmem:$0x1BE00] =	vst v63  }
0xba: {  	_ =	swait.ge [sflag:s14], $0x2000  }
0xbb: {  	[sflag:s14] =	ssyncset.done $0x0  }
0xbc: {  	[sflag:s14] =	ssyncadd.s32 $0xFFFFE000  }
0xbd: {  	_ =	swait.ge [sflag:s24], $0x2000  }
0xbe: {  	[sflag:s24] =	ssyncset.done $0x0  }
0xbf: {  	s28 =	simm.s32 $0x9F00;
	[sflag:s24] =	ssyncadd.s32 $0xFFFFE000  }
0xc0: {  	[spmem:s3] =	stream.indirect.scatter.add.f32 [tilespmem:s20], [sflag:$0x5], $0x40, s28, s16, $0xb8;
	[tilespmem:$0x1BE00] =	vst v63  }
0xc1: {  	_ =	swait.ge [sflag:s14], $0x2000  }
0xc2: {  	[sflag:s14] =	ssyncset.done $0x0  }
0xc3: {  	[sflag:s14] =	ssyncadd.s32 $0xFFFFE000  }
0xc4: {  	_ =	swait.ge [sflag:s25], $0x2000  }
0xc5: {  	[sflag:s25] =	ssyncset.done $0x0  }
0xc6: {  	[sflag:s25] =	ssyncadd.s32 $0xFFFFE000  }
0xc7: {  	[spmem:s3] =	stream.indirect.scatter.add.f32 [tilespmem:s21], [sflag:$0x5], $0x40, s31, s16, $0xb8;
	[tilespmem:$0x1BE00] =	vst v63  }
0xc8: {  	s29 =	stileid.u32;
	_ =	swait.ge [sflag:s14], $0x2000  }
0xc9: {  	s19 =	sadd.s32 $0x1, s19;
	s1 =	sshll.u32 s29, $0x6;
	[sflag:s14] =	ssyncset.done $0x0  }
0xca: {  	p0 =	sne.s32 s19, s13;
	s1 =	sor.u32 $0x1C05, s1;
	[sflag:s14] =	ssyncadd.s32 $0xFFFFE000  }
.Ltmp3:
0xcb: {  	s30 =	sshrl.u32 s6, $0x3;
	[bflag:$0x0] =	sbarrier.arrive $0xFFFF;
	(pc) =	sbr.rel @p0 .LBB2_1-.Ltmp3, $4  }
0xcc: {  	[hbm:s12@s0], [sflag:s1] =	dma.strided [spmem:s30@s15], $0x13C0, s25, $0x8   }
0xcd: {  	_ =	swait.ge [sflag:s14], $0x13C0  }
0xce: {  	[sflag:s14] =	ssyncset.done $0x0  }
0xcf: {  	[sflag:s14] =	ssyncadd.s32 $0xFFFFEC40  }
0xd0: {  	_ =	sfence.sel $0x180000  }
0xd1: {  	[bflag:$0x0] =	sbarrier.arrive $0xFFFF  }
0xd2: {  	_ =	strace $0x9000004A  }
0xd3: {  	s0 =	stileid.u32;
	[bflag:$0x2] =	sbarrier.arrive $0xFFFF  }
0xd4: {  	p0 =	sne.s32 s0, $0x0;
	s0 =	rddreg [dreg:$0x3]  }
0xd5: {  	s0 =	sadd.s32 @!p0 $0x100000, s0  }
0xd6: {  	[sflag:s0] =	ssyncadd.tile.s32 @!p0 $0x1;
	_ =	shalt  }
.Lfunc_end2:
_tile_overlayer_lowered:
.L_overlay_start_2:
0xd7: {  	(tag) =	ssettag $0x2  }
0xd8: {  	s0 =	rddreg [dreg:$0x0];
	s2 =	stileid.u32  }
0xd9: {  	s1 =	rddreg [dreg:$0x1];
	p0 =	sne.s32 s2, $0x0  }
0xda: {  	s3 =	rddreg [dreg:$0x2];
	[bflag:$0x3] =	sbarrier.arrive $0xFFFF;
	s2 =	simm.s32 @!p0 $0x1C05  }
0xdb: {  	[timem:s3], [sflag:s2] =	dma.local @!p0 [hbm:s0], s1  }
0xdc: {  	s0 =	simm.s32 @!p0 $0x5  }
0xdd: {  	_ =	swait.ge @!p0 [sflag:s0], s1  }
0xde: {  	s1 =	ssub.s32 @!p0 $0x0, s1;
	[sflag:s0] =	ssyncset.done @!p0 $0x0  }
0xdf: {  	[sflag:s0] =	ssyncadd.s32 @!p0 s1  }
0xe0: {  	[bflag:$0x3] =	sbarrier.arrive $0xFFFF  }
0xe1: {  	_ =	shalt  }

// kernel: kernel.7.cloned.1.call-start
scs
__scs_entry_jumppad:
0x0: {  	(pc) =	sbr.rel $0x88, $3  }
0x1: {  	(tag) =	ssettag $0x0;
	lr =	simm.s32 $0x1  }
0x2: {  	[smem:$0x3F99] =	sst lr;
	_ =	strace $0xD0000000  }
0x3: {  	_ = 	snop  }
0x4: {  	_ = 	snop  }
0x5: {  	_ = 	snop  }
0x6: {  	_ = 	snop  }
0x7: {  	_ = 	snop  }
__scs_overlays_trampoline_lowered:
0x8: {  	[smem:$0x3FA8] =	sst s0  }
0x9: {  	[smem:$0x3FA9] =	sst s1  }
0xa: {  	[smem:$0x3FAA] =	sst s2  }
0xb: {  	[smem:$0x3FAB] =	sst s3  }
0xc: {  	[smem:$0x3FAC] =	sst s4  }
0xd: {  	[smem:$0x3FAD] =	sst s5  }
0xe: {  	[smem:$0x3FAE] =	sst s6  }
0xf: {  	[smem:$0x3FAF] =	sst s7  }
0x10: {  	[smem:$0x3FB0] =	sst s8  }
0x11: {  	[smem:$0x3FB1] =	sst s9;
	s0 =	simm.s32 @!p0 $0x0  }
0x12: {  	s1 =	sld [smem:$0x3F97];
	s0 =	simm.s32 @p0 $0x1  }
0x13: {  	[smem:$0x3FB2] =	sst s0;
	s0 =	simm.s32 @!p1 $0x0  }
0x14: {  	s2 =	sld [smem:$0x3F96];
	s0 =	simm.s32 @p1 $0x1  }
0x15: {  	[smem:$0x3FB3] =	sst s0;
	s0 =	simm.s32 @!p2 $0x0  }
0x16: {  	s3 =	sld [smem:$0x3FDB];
	s0 =	simm.s32 @p2 $0x1  }
0x17: {  	s4 =	simm.s32 $0x1BF5;
	[smem:$0x3FB5] =	sst s0  }
0x18: {  	s0 =	sld [smem:$0x3F98];
	_ =	swait.ge [sflag:s4], $0x0  }
0x19: {  	s7 =	sld [smem:$0x3F99]  }
0x1a: {  	s8 =	sadd.s32 $0xFFFFE003, lr  }
0x1b: {  	s9 =	sadd.s32 $0xFFFFFEF7, lr;
	s5 =	simm.s32 $0xFFFFFFFF;
	p2 =	slt.u32 s8, $0xFFFFF086  }
0x1c: {  	p1 =	slt.u32 s9, $0xF7A;
	s5 =	simm.s32 @!p2 $0x0  }
0x1d: {  	s5 =	simm.s32 @p1 $0x1;
	p0 =	seq.s32 s7, s2  }
0x1e: {  	s7 =	smul.u32 @!p0 $0xF7A, s2;
	p2 =	seq.s32 @!p0 s5, $0x0  }
0x1f: {  	s9 =	smul.u32 $0xF7A, s1;
	s8 =	simm.s32 @!p0 $0x1BF5;
	p2 =	por !p2, p0  }
0x20: {  	[sflag:s8] =	ssyncset.s32 @!p0 $0xFFFFF086;
	s6 =	sadd.s32 @!p0 s3, s7;
	s7 =	simm.s32 @!p0 $0x108  }
0x21: {  	s3 =	sadd.s32 s3, s9;
	s6 =	sadd.s32 @!p0 $0x88, s6;
	s7 =	simm.s32 @p2 $0x1082  }
0x22: {  	[simem:s7], [sflag:s8] =	dma.local @!p0 [hbm:s6], $0xF7A  }
0x23: {  	s9 =	sor.u32 $0xD0000000, s2;
	s6 =	simm.s32 $0x108;
	_ =	swait.ge @!p0 [sflag:s8], $0x0  }
0x24: {  	s3 =	sadd.s32 $0x88, s3;
	s6 =	simm.s32 @!p1 $0x1082;
	[sflag:s4] =	ssyncset.s32 $0xFFFFF086  }
0x25: {  	[simem:s6], [sflag:s4] =	dma.local [hbm:s3], $0xF7A  }
0x26: {  	[smem:$0x3F99] =	sst s1;
	(tag) =	ssettag s2;
	_ =	strace s9  }
0x27: {  	s1 =	sld [smem:$0x3FA9]  }
0x28: {  	s2 =	sld [smem:$0x3FAA]  }
0x29: {  	s4 =	sld [smem:$0x3FAC]  }
0x2a: {  	p0 =	seq.s32 s5, $0x0;
	s5 =	sld [smem:$0x3FAD]  }
0x2b: {  	s6 =	sld [smem:$0x3FAE]  }
0x2c: {  	s7 =	sld [smem:$0x3FAF]  }
0x2d: {  	s3 =	simm.s32 $0x108;
	s8 =	sld [smem:$0x3FB0]  }
0x2e: {  	s3 =	simm.s32 @!p0 $0x1082;
	s9 =	sld [smem:$0x3FB1]  }
0x2f: {  	lr =	sadd.s32 s0, s3;
	s0 =	sld [smem:$0x3FA8]  }
0x30: {  	s3 =	sld [smem:$0x3FAB]  }
0x31: {  	[smem:$0x3FB4] =	sst s10  }
0x32: {  	s10 =	sld [smem:$0x3FB2];
	_ =	sdelay $0x3  }
0x33: {  	p0 =	seq.s32 s10, $0x1;
	s10 =	sld [smem:$0x3FB4];
	_ =	sdelay $0x3  }
0x34: {  	[smem:$0x3FB4] =	sst s10  }
0x35: {  	s10 =	sld [smem:$0x3FB3];
	_ =	sdelay $0x3  }
0x36: {  	p1 =	seq.s32 s10, $0x1;
	s10 =	sld [smem:$0x3FB4];
	_ =	sdelay $0x3  }
0x37: {  	[smem:$0x3FB4] =	sst s10  }
0x38: {  	s10 =	sld [smem:$0x3FB5]  }
0x39: {  	_ = 	snop;
	(pc) =	sbr.ind lr, $3  }
0x3a: {  	_ = 	snop  }
0x3b: {  	_ = 	snop  }
0x3c: {  	p2 =	seq.s32 s10, $0x1;
	s10 =	sld [smem:$0x3FB4]  }
0x3d: {  	_ =	shalt  }
0x3e: {  	_ =	shalt  }
0x3f: {  	_ =	shalt  }
0x40: {  	_ =	shalt  }
0x41: {  	_ =	shalt  }
0x42: {  	_ =	shalt  }
0x43: {  	_ =	shalt  }
0x44: {  	_ =	shalt  }
0x45: {  	_ =	shalt  }
0x46: {  	_ =	shalt  }
0x47: {  	_ =	shalt  }
0x48: {  	_ =	shalt  }
0x49: {  	_ =	shalt  }
0x4a: {  	_ =	shalt  }
0x4b: {  	_ =	shalt  }
0x4c: {  	_ =	shalt  }
0x4d: {  	_ =	shalt  }
0x4e: {  	_ =	shalt  }
0x4f: {  	_ =	shalt  }
0x50: {  	_ =	shalt  }
0x51: {  	_ =	shalt  }
0x52: {  	_ =	shalt  }
0x53: {  	_ =	shalt  }
0x54: {  	_ =	shalt  }
0x55: {  	_ =	shalt  }
0x56: {  	_ =	shalt  }
0x57: {  	_ =	shalt  }
0x58: {  	_ =	shalt  }
0x59: {  	_ =	shalt  }
0x5a: {  	_ =	shalt  }
0x5b: {  	_ =	shalt  }
0x5c: {  	_ =	shalt  }
0x5d: {  	_ =	shalt  }
0x5e: {  	_ =	shalt  }
0x5f: {  	_ =	shalt  }
0x60: {  	_ =	shalt  }
0x61: {  	_ =	shalt  }
0x62: {  	_ =	shalt  }
0x63: {  	_ =	shalt  }
0x64: {  	_ =	shalt  }
0x65: {  	_ =	shalt  }
0x66: {  	_ =	shalt  }
0x67: {  	_ =	shalt  }
0x68: {  	_ =	shalt  }
0x69: {  	_ =	shalt  }
0x6a: {  	_ =	shalt  }
0x6b: {  	_ =	shalt  }
0x6c: {  	_ =	shalt  }
0x6d: {  	_ =	shalt  }
0x6e: {  	_ =	shalt  }
0x6f: {  	_ =	shalt  }
0x70: {  	_ =	shalt  }
0x71: {  	_ =	shalt  }
0x72: {  	_ =	shalt  }
0x73: {  	_ =	shalt  }
0x74: {  	_ =	shalt  }
0x75: {  	_ =	shalt  }
0x76: {  	_ =	shalt  }
0x77: {  	_ =	shalt  }
0x78: {  	_ =	shalt  }
0x79: {  	_ =	shalt  }
0x7a: {  	_ =	shalt  }
0x7b: {  	_ =	shalt  }
0x7c: {  	_ =	shalt  }
0x7d: {  	_ =	shalt  }
0x7e: {  	_ =	shalt  }
0x7f: {  	_ =	shalt  }
0x80: {  	_ =	shalt  }
0x81: {  	_ =	shalt  }
0x82: {  	_ =	shalt  }
0x83: {  	_ =	shalt  }
0x84: {  	_ =	shalt  }
0x85: {  	_ =	shalt  }
0x86: {  	_ =	shalt  }
0x87: {  	_ =	shalt  }
.Lfunc_end0:
.L_simem_size_0:
called_computation_lowered:
.L_overlay_start_0:
0x88: {  	s2 =	sld [smem:$0x3FD9]  }
0x89: {  	s3 =	sld [smem:$0x3FFE];
	_ =	sdelay $0x1  }
0x8a: {  	s1 =	srdreg.scid  }
0x8b: {  	s0 =	sand.u32 $0x1, s1  }
0x8c: {  	s17 =	sshll.u32 s0, $0xA;
	s2 =	sadd.s32 s3, s2  }
0x8d: {  	s2 =	sadd.s32 s2, s17  }
0x8e: {  	[smem:$0x3FC0] =	sst s2  }
0x8f: {  	_ = 	snop  }
0x90: {  	s2 =	sld [smem:$0x3FD0];
	(tm) =	ssettm $0x1  }
0x91: {  	s18 =	sld [smem:$0x3FFB];
	_ =	sdelay $0x3  }
0x92: {  	_ =	strace s18  }
0x93: {  	s3 =	sld [smem:$0x3FFC];
	_ =	sdelay $0x3  }
0x94: {  	_ =	strace s3  }
0x95: {  	s3 =	sld [smem:$0x3FFD];
	_ =	sdelay $0x3  }
0x96: {  	_ =	strace s3  }
0x97: {  	_ =	strace $0x8FFFFFFF  }
0x98: {  	s19 =	sld [smem:$0x3FDB];
	_ =	sdelay $0x1  }
0x99: {  	s4 =	simm.s32 $_scs_section_size  }
0x9a: {  	s5 =	simm.s32 $_size__tile_overlayer_lowered;
	s6 =	simm.s32 $_tile_overlayer_lowered  }
0x9b: {  	s22 =	simm.s32 $0x1BFF;
	s21 =	sshll.u32 s6, $0x1;
	s3 =	sadd.s32 s4, s19  }
0x9c: {  	s7 =	simm.s32 $0x0;
	s20 =	sshll.u32 s5, $0x1;
	s5 =	sadd.s32 s21, s3  }
0x9d: {  	[timem:s7], [sflag:s22] =	dma.local [hbm:s5], s20  }
0x9e: {  	_ =	swait.ge [sflag:s22], s20  }
0x9f: {  	s4 =	ssub.s32 $0x0, s20;
	[sflag:s22] =	ssyncset.done $0x0  }
0xa0: {  	[sflag:s22] =	ssyncadd.s32 s4;
	_ =	sdelay $0x1  }
0xa1: {  	s23 =	simm.s32 $0x1B8B  }
0xa2: {  	_ =	swait.ge [sflag:s23], $0x1  }
0xa3: {  	[sflag:s23] =	ssyncset.done $0x0  }
0xa4: {  	s25 =	simm.s32 $0x1B8E;
	s24 =	sld [smem:$0x3FFE];
	[sflag:s23] =	ssyncadd.s32 $0xFFFFFFFF  }
0xa5: {  	s26 =	simm.s32 $execute0_lowered;
	[smem:$0x3FD2] =	sst s25  }
0xa6: {  	s5 =	sshll.u32 s26, $0x1;
	_ =	strace $0x80000046;
	[dreg:$0x1] =	wrdreg $0xFFFFFFFF  }
0xa7: {  	s28 =	simm.s32 $_size_execute0_lowered;
	s3 =	sadd.s32 s3, s5;
	[dreg:$0x0] =	wrdreg $0x0  }
0xa8: {  	s5 =	sshll.u32 s28, $0x1;
	[dreg:$0x2] =	wrdreg s3  }
0xa9: {  	[dreg:$0x3] =	wrdreg s5  }
0xaa: {  	[dreg:$0x4] =	wrdreg $0xC0  }
0xab: {  	_ =	task [dreg:s7], $0x5FFFF  }
0xac: {  	[dreg:$0x1] =	wrdreg $0xFFFFFFFF  }
0xad: {  	[dreg:$0x0] =	wrdreg $0x60  }
0xae: {  	[dreg:$0x2] =	wrdreg s2  }
0xaf: {  	[dreg:$0x3] =	wrdreg s24  }
0xb0: {  	[dreg:$0x4] =	wrdreg $0x120000  }
0xb1: {  	[dreg:$0x5] =	wrdreg $0x1CE000  }
0xb2: {  	[dreg:$0x6] =	wrdreg $0x9  }
0xb3: {  	_ =	task.clear_ibuf [dreg:s7], $0x7FFFF;
	_ =	strace $0x90000046  }
0xb4: {  	s29 =	simm.s32 $0x9;
	_ =	strace $0x80000048  }
0xb5: {  	_ =	swait.ge [sflag:s29], $0x1  }
0xb6: {  	[sflag:s29] =	ssyncadd.s32 $0xFFFFFFFF  }
0xb7: {  	_ =	strace $0x90000048  }
0xb8: {  	_ =	sfence  }
0xb9: {  	s30 =	sld [smem:$0x0];
	_ =	sdelay $0x2  }
0xba: {  	s31 =	sshll.u32 s1, $0xD;
	s1 =	sshrl.u32 s1, $0x2  }
0xbb: {  	s3 =	sand.u32 $0x4000, s31;
	s1 =	sadd.s32 s1, s30  }
0xbc: {  	s0 =	sor.u32 s3, s0;
	s1 =	sshll.u32 s1, $0x11  }
0xbd: {  	s0 =	sor.u32 s1, s0  }
0xbe: {  	s0 =	sadd.s32 $0x8F2B, s0  }
0xbf: {  	[sflag:s0] =	ssyncadd.remote.s32 $0x1  }
0xc0: {  	_ =	sfence.sel $0xFFFF  }
0xc1: {  	[dreg:$0x0] =	wrdreg $0xFFFFFFFF;
	(pc) =	sbr.abs _section_cstart, $3  }
0xc2: {  	[dreg:$0x1] =	wrdreg $0xFFFFFFFF  }
0xc3: {  	_ =	task.clear_ibuf [dreg:s7], $0x2FFFF;
	_ =	strace $0x9FFFFFFF  }
0xc4: {  	(tm) =	ssettm $0x7FFFFFFF  }
0xc5: {  	_ =	shalt  }
tec
execute0_lowered:
.L_overlay_start_1:
0x0: {  	(tag) =	ssettag $0x1  }
0x1: {  	s1 =	rddreg [dreg:$0x0]  }
0x2: {  	s0 =	rddreg [dreg:$0x1]  }
0x3: {  	s3 =	rddreg [dreg:$0x2]  }
0x4: {  	s4 =	rddreg [dreg:$0x3];
	s15 =	stileid.u32  }
0x5: {  	s2 =	srdreg.scid;
	s24 =	smul.u32 $0x13C00, s15  }
0x6: {  	s5 =	simm.s32 $0x0;
	s28 =	simm.s32 $0x10000;
	s7 =	smul.u32 $0xA00, s15  }
0x7: {  	s29 =	simm.s32 $0xA000;
	s30 =	simm.s32 $0x1C600;
	s10 =	smul.u32 $0x278, s15  }
0x8: {  	s31 =	simm.s32 $0x2;
	s6 =	sand.u32 $0x1, s2;
	s12 =	smul.u32 $0x27800, s15  }
0x9: {  	[smem:$0x7FF] =	sst s5;
	s15 =	smul.u32 $0x9E00, s15;
	s8 =	sshll.u32 s6, $0x6  }
0xa: {  	_ =	strace $0x80000047;
	s9 =	sshll.u32 s6, $0x4;
	s25 =	ssub.s32 $0x2, s6  }
0xb: {  	p0 =	sne.s32 s6, $0x0;
	p1 =	seq.s32 s6, $0x0;
	v0 =	vmov s6;
	s6 =	simm.s32 $0x10  }
0xc: {  	s8 =	sor.u32 s8, s24;
	s7 =	sadd.s32 s7, s0;
	s2 =	sor.u32 s9, s24  }
0xd: {  	s11 =	sshrl.u32 s25, $0x1;
	s9 =	sshrl.u32 s12, $0x2;
	s16 =	sadd.s32 $0x100, s10  }
0xe: {  	s17 =	sadd.s32 $0x180, s10;
	s21 =	sshrl.u32 s15, $0x2;
	s8 =	sshrl.u32 s8, $0x3  }
0xf: {  	s2 =	sshrl.u32 s2, $0x3;
	s26 =	sadd.s32 $0x2400, s7;
	s7 =	sadd.s32 $0xC400, s7  }
0x10: {  	s18 =	sshll.u32 s16, $0x6;
	s22 =	sshll.u32 s17, $0x4;
	s14 =	sadd.s32 s8, s0  }
0x11: {  	s0 =	sadd.s32 s2, s0;
	s2 =	ssub.s32 s25, s11;
	[dreg:$0x5] =	wrdreg s26  }
0x12: {  	s11 =	sadd.s32 $0x80, s10;
	[dreg:$0x6] =	wrdreg s7;
	s8 =	sadd.s32 s9, s3  }
0x13: {  	s12 =	sadd.s32 s18, s3;
	s10 =	sadd.s32 $0x200, s10;
	s23 =	sadd.s32 s22, s4  }
0x14: {  	s22 =	simm.s32 $0x3;
	s13 =	sshll.u32 s11, $0x6;
	[dreg:$0x8] =	wrdreg s12  }
0x15: {  	s20 =	sshll.u32 s10, $0x6;
	s9 =	sshll.u32 s11, $0x4;
	s10 =	sshll.u32 s10, $0x4  }
0x16: {  	[dreg:$0xd] =	wrdreg s23;
	s25 =	sadd.s32 $0x16400, s14;
	s0 =	sadd.s32 $0x3DC00, s0  }
0x17: {  	s26 =	smax.u32 s2, $0x1;
	s23 =	simm.s32 $0x80;
	[dreg:$0xf] =	wrdreg s25  }
0x18: {  	s2 =	simm.s32 $0x1;
	s7 =	sadd.s32 s13, s3;
	[dreg:$0x10] =	wrdreg s0  }
0x19: {  	s13 =	sshll.u32 s17, $0x6;
	s12 =	sadd.s32 s20, s3;
	[dreg:$0x11] =	wrdreg s26  }
0x1a: {  	s9 =	sadd.s32 s9, s4;
	s24 =	sadd.s32 s10, s4;
	[dreg:$0x7] =	wrdreg s7  }
0x1b: {  	s25 =	simm.s32 $0xE000;
	s0 =	simm.s32 $0x6;
	[dreg:$0xa] =	wrdreg s12  }
0x1c: {  	s26 =	simm.s32 $0x4;
	s19 =	sadd.s32 s13, s3;
	[dreg:$0xb] =	wrdreg s9  }
0x1d: {  	s13 =	sadd.s32 s21, s4;
	s7 =	sshll.u32 s16, $0x4;
	[dreg:$0xe] =	wrdreg s24  }
0x1e: {  	s21 =	simm.s32 $0x5;
	[dreg:$0x9] =	wrdreg s19;
	s7 =	sadd.s32 s7, s4  }
0x1f: {  	v1 =	vimm.f32 $0.0e+00;
	v2 =	vimm.f32 $1.000000000e+00;
	s24 =	simm.s32 $0xC000;
	[dreg:$0xc] =	wrdreg s7;
	s7 =	simm.s32 $0x0  }
.LBB2_1:
0x20: {  	s9 =	rddreg [dreg:$0x5]  }
0x21: {  	[tilespmem:s5], [sflag:$0x5] =	stream.linear.gather [hbm4b:s9+s5], $0x5000, $0x38;
	[tilespmem:$0x1F580] =	vst v63  }
0x22: {  	_ =	swait.ge [sflag:s21], $0x5000  }
0x23: {  	[sflag:s21] =	ssyncset.done $0x0  }
0x24: {  	s10 =	simm.s32 $0x5000;
	s17 =	rddreg [dreg:$0x6];
	[sflag:s21] =	ssyncadd.s32 $0xFFFFB000  }
0x25: {  	[tilespmem:s10], [sflag:$0x5] =	stream.linear.gather [hbm4b:s17+s5], $0x5000, $0x38;
	[tilespmem:$0x1F580] =	vst v63  }
0x26: {  	s18 =	sand.u32 $0x1FE00, s5;
	_ =	swait.ge [sflag:s21], $0x5000  }
0x27: {  	s19 =	sand.u32 $0x70, s5;
	s9 =	sshrl.u32 s18, $0x2;
	[sflag:s21] =	ssyncset.done $0x0  }
0x28: {  	s9 =	sor.u32 s19, s9;
	[sflag:s21] =	ssyncadd.s32 $0xFFFFB000  }
0x29: {  	v3 =	vld [tilespmem:s9+$0x0];
	_ =	sdelay $0x3  }
0x2a: {  	s20 =	simm.s32 $0x40  }
0x2b: {  	s11 =	simm.s32 $0x10;
	s12 =	sand.u32 $0x1FE00, s20;
	s10 =	simm.s32 $0x80;
	v3 =	vshll.u32 v3, $0x1  }
.LBB2_2:
0x2c: {  	p2 =	sne.s32 s10, $0x13FC0;
	s14 =	sand.u32 $0x70, s11;
	s12 =	sshrl.u32 s12, $0x2;
	v3 =	vor.u32 v0, v3  }
0x2d: {  	[tilespmem:s9+$0x0] =	vst v3;
	s9 =	sor.u32 s14, s12  }
0x2e: {  	v3 =	vld [tilespmem:s9+$0x0]  }
.Ltmp0:
0x2f: {  	(pc) =	sbr.rel @p2 .LBB2_2-.Ltmp0, $2  }
0x30: {  	_ =	sdelay $0x2  }
0x31: {  	s11 =	sadd.s32 $0x10, s11;
	s12 =	sand.u32 $0x1FE00, s10;
	s10 =	sadd.s32 $0x40, s10;
	v3 =	vshll.u32 v3, $0x1  }
0x32: {  	s10 =	sand.u32 $0x70, s11;
	s16 =	sshrl.u32 s12, $0x2;
	v3 =	vor.u32 v0, v3  }
0x33: {  	s10 =	sor.u32 s10, s16;
	[tilespmem:s9+$0x0] =	vst v3  }
0x34: {  	v3 =	vld [tilespmem:s10+$0x0];
	_ =	sdelay $0x4  }
0x35: {  	v3 =	vshll.u32 v3, $0x1  }
0x36: {  	s9 =	simm.s32 $0x0;
	v3 =	vor.u32 v0, v3  }
0x37: {  	s18 =	sand.u32 $0x7F00, s9;
	[tilespmem:s10+$0x0] =	vst v3  }
0x38: {  	[tilespmem:s24], [sflag:$0x2] =	stream.indirect.gather [hbm4b:s1+s23], $0x40, s9, s23, $0xb8;
	[tilespmem:$0x1F580] =	vst v63  }
0x39: {  	s19 =	sand.u32 $0x30, s9;
	s20 =	sshrl.u32 s18, $0x2  }
0x3a: {  	[tilespmem:s25], [sflag:$0x3] =	stream.indirect.gather [hbm4b:s1+s23], $0x40, s23, s23, $0xb8;
	[tilespmem:$0x1F580] =	vst v63  }
0x3b: {  	s17 =	simm.s32 $0x100;
	s11 =	sor.u32 s19, s20;
	s10 =	simm.s32 $0x40  }
0x3c: {  	[tilespmem:s28], [sflag:$0x4] =	stream.indirect.gather [hbm4b:s1+s23], $0x40, s17, s23, $0xb8;
	[tilespmem:$0x1F580] =	vst v63  }
.LBB2_4:
0x3d: {  	p2 =	sne.s32 s10, $0x7FC0  }
0x3e: {  	[tilespmem:s11+$0xA000] =	vst v1;
	s9 =	sadd.s32 $0x10, s9;
	s11 =	smov.u32 s10;
	s10 =	sadd.s32 $0x40, s10  }
.Ltmp1:
0x3f: {  	(pc) =	sbr.rel @p2 .LBB2_4-.Ltmp1, $4  }
0x40: {  	_ = 	snop  }
0x41: {  	s11 =	sand.u32 $0x7F00, s11  }
0x42: {  	s12 =	sand.u32 $0x30, s9;
	s11 =	sshrl.u32 s11, $0x2  }
0x43: {  	s11 =	sor.u32 s12, s11  }
0x44: {  	[tilespmem:s11+$0xA000] =	vst v1  }
0x45: {  	[spmem:s8] =	stream.linear.scatter [tilespmem:s29], [sflag:$0x5], $0x2000, $0x38;
	[tilespmem:$0x1F580] =	vst v63  }
0x46: {  	_ =	swait.ge [sflag:s21], $0x2000  }
0x47: {  	[sflag:s21] =	ssyncset.done $0x0  }
0x48: {  	s9 =	rddreg [dreg:$0x7];
	[sflag:s21] =	ssyncadd.s32 $0xFFFFE000  }
0x49: {  	[spmem:s9] =	stream.linear.scatter [tilespmem:s29], [sflag:$0x5], $0x2000, $0x38;
	[tilespmem:$0x1F580] =	vst v63  }
0x4a: {  	_ =	swait.ge [sflag:s21], $0x2000  }
0x4b: {  	[sflag:s21] =	ssyncset.done $0x0  }
0x4c: {  	s18 =	rddreg [dreg:$0x8];
	[sflag:s21] =	ssyncadd.s32 $0xFFFFE000  }
0x4d: {  	[spmem:s18] =	stream.linear.scatter [tilespmem:s29], [sflag:$0x5], $0x2000, $0x38;
	[tilespmem:$0x1F580] =	vst v63  }
0x4e: {  	_ =	swait.ge [sflag:s21], $0x2000  }
0x4f: {  	[sflag:s21] =	ssyncset.done $0x0  }
0x50: {  	s19 =	rddreg [dreg:$0x9];
	[sflag:s21] =	ssyncadd.s32 $0xFFFFE000  }
0x51: {  	[spmem:s19] =	stream.linear.scatter [tilespmem:s29], [sflag:$0x5], $0x2000, $0x38;
	[tilespmem:$0x1F580] =	vst v63  }
0x52: {  	_ =	swait.ge [sflag:s21], $0x2000  }
0x53: {  	[sflag:s21] =	ssyncset.done $0x0  }
0x54: {  	s20 =	rddreg [dreg:$0xa];
	[sflag:s21] =	ssyncadd.s32 $0xFFFFE000  }
0x55: {  	[spmem:s20] =	stream.linear.scatter [tilespmem:s29], [sflag:$0x5], $0x1E00, $0x38;
	[tilespmem:$0x1F580] =	vst v63  }
0x56: {  	_ =	swait.ge [sflag:s21], $0x1E00  }
0x57: {  	[sflag:s21] =	ssyncset.done $0x0  }
0x58: {  	s10 =	simm.s32 $0x0;
	s9 =	simm.s32 $0x40;
	[sflag:s21] =	ssyncadd.s32 $0xFFFFE200  }
.LBB2_6:
0x59: {  	p2 =	sne.s32 s9, $0x1FC0;
	[tilespmem:s10+$0x1BE00] =	vst v2;
	s11 =	smov.u32 s9;
	s9 =	sadd.s32 $0x40, s9  }
.Ltmp2:
0x5a: {  	[tilespmem:s10+$0x1C600] =	vst v1;
	(pc) =	sbr.rel @p2 .LBB2_6-.Ltmp2, $2  }
0x5b: {  	_ =	sdelay $0x2  }
0x5c: {  	s10 =	sshra.s32 s11, $0x2  }
0x5d: {  	[tilespmem:s10+$0x1BE00] =	vst v2  }
0x5e: {  	[tilespmem:s10+$0x1C600] =	vst v1  }
0x5f: {  	[spmem:s13] =	stream.linear.scatter [tilespmem:s30], [sflag:$0x5], $0x800, $0x38;
	[tilespmem:$0x1F580] =	vst v63  }
0x60: {  	_ =	swait.ge [sflag:s21], $0x800  }
0x61: {  	[sflag:s21] =	ssyncset.done $0x0  }
0x62: {  	s9 =	rddreg [dreg:$0xb];
	[sflag:s21] =	ssyncadd.s32 $0xFFFFF800  }
0x63: {  	[spmem:s9] =	stream.linear.scatter [tilespmem:s30], [sflag:$0x5], $0x800, $0x38;
	[tilespmem:$0x1F580] =	vst v63  }
0x64: {  	_ =	swait.ge [sflag:s21], $0x800  }
0x65: {  	[sflag:s21] =	ssyncset.done $0x0  }
0x66: {  	s14 =	rddreg [dreg:$0xc];
	[sflag:s21] =	ssyncadd.s32 $0xFFFFF800  }
0x67: {  	[spmem:s14] =	stream.linear.scatter [tilespmem:s30], [sflag:$0x5], $0x800, $0x38;
	[tilespmem:$0x1F580] =	vst v63  }
0x68: {  	_ =	swait.ge [sflag:s21], $0x800  }
0x69: {  	[sflag:s21] =	ssyncset.done $0x0  }
0x6a: {  	s15 =	rddreg [dreg:$0xd];
	[sflag:s21] =	ssyncadd.s32 $0xFFFFF800  }
0x6b: {  	[spmem:s15] =	stream.linear.scatter [tilespmem:s30], [sflag:$0x5], $0x800, $0x38;
	[tilespmem:$0x1F580] =	vst v63  }
0x6c: {  	_ =	swait.ge [sflag:s21], $0x800  }
0x6d: {  	[sflag:s21] =	ssyncset.done $0x0  }
0x6e: {  	s16 =	rddreg [dreg:$0xe];
	[sflag:s21] =	ssyncadd.s32 $0xFFFFF800  }
0x6f: {  	[spmem:s16] =	stream.linear.scatter [tilespmem:s30], [sflag:$0x5], $0x780, $0x38;
	[tilespmem:$0x1F580] =	vst v63  }
0x70: {  	_ =	swait.ge [sflag:s21], $0x780  }
0x71: {  	[sflag:s21] =	ssyncset.done $0x0  }
0x72: {  	[sflag:s21] =	ssyncadd.s32 $0xFFFFF880  }
0x73: {  	s17 =	simm.s32 $0x180;
	[bflag:$0x0] =	sbarrier.arrive $0xFFFF  }
0x74: {  	[tilespmem:s29], [sflag:$0x1] =	stream.indirect.gather [hbm4b:s1+s23], $0x40, s17, s23, $0xb8;
	[tilespmem:$0x1F580] =	vst v63  }
0x75: {  	_ =	swait.ge [sflag:s31], $0x2000  }
0x76: {  	[sflag:s31] =	ssyncset.done $0x0  }
0x77: {  	s12 =	simm.s32 $0x5000;
	[sflag:s31] =	ssyncadd.s32 $0xFFFFE000  }
0x78: {  	[spmem:s3] =	stream.indirect.scatter.add.f32 [tilespmem:s24], [sflag:$0x6], $0x40, s12, s23, $0xb8;
	[tilespmem:$0x1F580] =	vst v63  }
0x79: {  	_ =	swait.ge [sflag:s0], $0x2000  }
0x7a: {  	s10 =	simm.s32 @!p0 $0x80;
	[sflag:s0] =	ssyncset.done $0x0  }
0x7b: {  	s11 =	simm.s32 @!p0 $0x1BE00;
	s9 =	simm.s32 @!p0 $0x6;
	[sflag:s0] =	ssyncadd.s32 $0xFFFFE000  }
0x7c: {  	[spmem:s4] =	stream.indirect.scatter.add.f32 @!p0 [tilespmem:s11], [sflag:$0x6], $0x10, s12, s10, $0xb8;
	[tilespmem:$0x1F580] =	vst v63  }
0x7d: {  	_ =	swait.ge @!p0 [sflag:s9], $0x800  }
0x7e: {  	[sflag:s9] =	ssyncset.done @!p0 $0x0  }
0x7f: {  	s18 =	simm.s32 $0x200;
	[sflag:s9] =	ssyncadd.s32 @!p0 $0xFFFFF800  }
0x80: {  	[tilespmem:s24], [sflag:$0x2] =	stream.indirect.gather [hbm4b:s1+s23], $0x40, s18, s23, $0xb8;
	[tilespmem:$0x1F580] =	vst v63  }
0x81: {  	_ =	swait.ge [sflag:s22], $0x2000  }
0x82: {  	[sflag:s22] =	ssyncset.done $0x0  }
0x83: {  	s12 =	simm.s32 $0x5080;
	[sflag:s22] =	ssyncadd.s32 $0xFFFFE000  }
0x84: {  	[spmem:s3] =	stream.indirect.scatter.add.f32 [tilespmem:s25], [sflag:$0x6], $0x40, s12, s23, $0xb8;
	[tilespmem:$0x1F580] =	vst v63  }
0x85: {  	_ =	swait.ge [sflag:s0], $0x2000  }
0x86: {  	s14 =	simm.s32 @!p1 $0x6;
	[sflag:s0] =	ssyncset.done $0x0  }
0x87: {  	s15 =	simm.s32 @!p1 $0x80;
	s16 =	simm.s32 @!p1 $0x1BE00;
	[sflag:s0] =	ssyncadd.s32 $0xFFFFE000  }
0x88: {  	[spmem:s4] =	stream.indirect.scatter.add.f32 @!p1 [tilespmem:s16], [sflag:$0x6], $0x10, s12, s15, $0xb8;
	[tilespmem:$0x1F580] =	vst v63  }
0x89: {  	_ =	swait.ge @!p1 [sflag:s14], $0x800  }
0x8a: {  	[sflag:s14] =	ssyncset.done @!p1 $0x0  }
0x8b: {  	s19 =	simm.s32 $0x280;
	[sflag:s14] =	ssyncadd.s32 @!p1 $0xFFFFF800  }
0x8c: {  	[tilespmem:s25], [sflag:$0x3] =	stream.indirect.gather [hbm4b:s1+s23], $0x40, s19, s23, $0xb8;
	[tilespmem:$0x1F580] =	vst v63  }
0x8d: {  	_ =	swait.ge [sflag:s26], $0x2000  }
0x8e: {  	[sflag:s26] =	ssyncset.done $0x0  }
0x8f: {  	s12 =	simm.s32 $0x5100;
	[sflag:s26] =	ssyncadd.s32 $0xFFFFE000  }
0x90: {  	[spmem:s3] =	stream.indirect.scatter.add.f32 [tilespmem:s28], [sflag:$0x6], $0x40, s12, s23, $0xb8;
	[tilespmem:$0x1F580] =	vst v63  }
0x91: {  	_ =	swait.ge [sflag:s0], $0x2000  }
0x92: {  	[sflag:s0] =	ssyncset.done $0x0  }
0x93: {  	[sflag:s0] =	ssyncadd.s32 $0xFFFFE000  }
0x94: {  	[spmem:s4] =	stream.indirect.scatter.add.f32 @!p0 [tilespmem:s11], [sflag:$0x6], $0x10, s12, s10, $0xb8;
	[tilespmem:$0x1F580] =	vst v63  }
0x95: {  	_ =	swait.ge @!p0 [sflag:s9], $0x800  }
0x96: {  	[sflag:s9] =	ssyncset.done @!p0 $0x0  }
0x97: {  	s20 =	simm.s32 $0x300;
	[sflag:s9] =	ssyncadd.s32 @!p0 $0xFFFFF800  }
0x98: {  	[tilespmem:s28], [sflag:$0x4] =	stream.indirect.gather [hbm4b:s1+s23], $0x40, s20, s23, $0xb8;
	[tilespmem:$0x1F580] =	vst v63  }
0x99: {  	_ =	swait.ge [sflag:s2], $0x2000  }
0x9a: {  	[sflag:s2] =	ssyncset.done $0x0  }
0x9b: {  	s12 =	simm.s32 $0x5180;
	[sflag:s2] =	ssyncadd.s32 $0xFFFFE000  }
0x9c: {  	[spmem:s3] =	stream.indirect.scatter.add.f32 [tilespmem:s29], [sflag:$0x6], $0x40, s12, s23, $0xb8;
	[tilespmem:$0x1F580] =	vst v63  }
0x9d: {  	_ =	swait.ge [sflag:s0], $0x2000  }
0x9e: {  	[sflag:s0] =	ssyncset.done $0x0  }
0x9f: {  	s17 =	simm.s32 @!p1 $0x5;
	[sflag:s0] =	ssyncadd.s32 $0xFFFFE000  }
0xa0: {  	[spmem:s4] =	stream.indirect.scatter.add.f32 @!p1 [tilespmem:s16], [sflag:$0x5], $0x10, s12, s15, $0xb8;
	[tilespmem:$0x1F580] =	vst v63  }
0xa1: {  	_ =	swait.ge @!p1 [sflag:s17], $0x800  }
0xa2: {  	s18 =	simm.s32 $0x1000;
	s12 =	simm.s32 $0x200;
	[sflag:s17] =	ssyncset.done @!p1 $0x0  }
.LBB2_8:
0xa3: {  	s20 =	sadd.s32 $0x180, s12  }
0xa4: {  	[sflag:s17] =	ssyncadd.s32 @!p1 $0xFFFFF800;
	s19 =	smov.u32 s18;
	s18 =	sadd.s32 $0x800, s18  }
0xa5: {  	[tilespmem:s29], [sflag:$0x1] =	stream.indirect.gather [hbm4b:s1+s23], $0x40, s20, s23, $0xb8;
	[tilespmem:$0x1F580] =	vst v63  }
0xa6: {  	p2 =	sne.s32 s18, $0x13800;
	_ =	swait.ge [sflag:s31], $0x2000  }
0xa7: {  	[sflag:s31] =	ssyncset.done $0x0  }
0xa8: {  	s20 =	sadd.s32 $0x5000, s12;
	[sflag:s31] =	ssyncadd.s32 $0xFFFFE000  }
0xa9: {  	[spmem:s3] =	stream.indirect.scatter.add.f32 [tilespmem:s24], [sflag:$0x6], $0x40, s20, s23, $0xb8;
	[tilespmem:$0x1F580] =	vst v63  }
0xaa: {  	_ =	swait.ge [sflag:s0], $0x2000  }
0xab: {  	[sflag:s0] =	ssyncset.done $0x0  }
0xac: {  	[sflag:s0] =	ssyncadd.s32 $0xFFFFE000  }
0xad: {  	[spmem:s4] =	stream.indirect.scatter.add.f32 @!p0 [tilespmem:s11], [sflag:$0x6], $0x10, s20, s10, $0xb8;
	[tilespmem:$0x1F580] =	vst v63  }
0xae: {  	_ =	swait.ge @!p0 [sflag:s9], $0x800  }
0xaf: {  	[sflag:s9] =	ssyncset.done @!p0 $0x0  }
0xb0: {  	s20 =	sadd.s32 $0x200, s12;
	[sflag:s9] =	ssyncadd.s32 @!p0 $0xFFFFF800  }
0xb1: {  	[tilespmem:s24], [sflag:$0x2] =	stream.indirect.gather [hbm4b:s1+s23], $0x40, s20, s23, $0xb8;
	[tilespmem:$0x1F580] =	vst v63  }
0xb2: {  	_ =	swait.ge [sflag:s22], $0x2000  }
0xb3: {  	[sflag:s22] =	ssyncset.done $0x0  }
0xb4: {  	s20 =	sadd.s32 $0x5080, s12;
	[sflag:s22] =	ssyncadd.s32 $0xFFFFE000  }
0xb5: {  	[spmem:s3] =	stream.indirect.scatter.add.f32 [tilespmem:s25], [sflag:$0x6], $0x40, s20, s23, $0xb8;
	[tilespmem:$0x1F580] =	vst v63  }
0xb6: {  	_ =	swait.ge [sflag:s0], $0x2000  }
0xb7: {  	[sflag:s0] =	ssyncset.done $0x0  }
0xb8: {  	[sflag:s0] =	ssyncadd.s32 $0xFFFFE000  }
0xb9: {  	[spmem:s4] =	stream.indirect.scatter.add.f32 @!p1 [tilespmem:s16], [sflag:$0x6], $0x10, s20, s15, $0xb8;
	[tilespmem:$0x1F580] =	vst v63  }
0xba: {  	_ =	swait.ge @!p1 [sflag:s14], $0x800  }
0xbb: {  	[sflag:s14] =	ssyncset.done @!p1 $0x0  }
0xbc: {  	s20 =	sadd.s32 $0x280, s12;
	[sflag:s14] =	ssyncadd.s32 @!p1 $0xFFFFF800  }
0xbd: {  	[tilespmem:s25], [sflag:$0x3] =	stream.indirect.gather [hbm4b:s1+s23], $0x40, s20, s23, $0xb8;
	[tilespmem:$0x1F580] =	vst v63  }
0xbe: {  	_ =	swait.ge [sflag:s26], $0x2000  }
0xbf: {  	[sflag:s26] =	ssyncset.done $0x0  }
0xc0: {  	s20 =	sadd.s32 $0x5100, s12;
	[sflag:s26] =	ssyncadd.s32 $0xFFFFE000  }
0xc1: {  	[spmem:s3] =	stream.indirect.scatter.add.f32 [tilespmem:s28], [sflag:$0x6], $0x40, s20, s23, $0xb8;
	[tilespmem:$0x1F580] =	vst v63  }
0xc2: {  	_ =	swait.ge [sflag:s0], $0x2000  }
0xc3: {  	[sflag:s0] =	ssyncset.done $0x0  }
0xc4: {  	[sflag:s0] =	ssyncadd.s32 $0xFFFFE000  }
0xc5: {  	[spmem:s4] =	stream.indirect.scatter.add.f32 @!p0 [tilespmem:s11], [sflag:$0x6], $0x10, s20, s10, $0xb8;
	[tilespmem:$0x1F580] =	vst v63  }
0xc6: {  	_ =	swait.ge @!p0 [sflag:s9], $0x800  }
0xc7: {  	[sflag:s9] =	ssyncset.done @!p0 $0x0  }
0xc8: {  	s20 =	sadd.s32 $0x300, s12;
	[sflag:s9] =	ssyncadd.s32 @!p0 $0xFFFFF800  }
0xc9: {  	[tilespmem:s28], [sflag:$0x4] =	stream.indirect.gather [hbm4b:s1+s23], $0x40, s20, s23, $0xb8;
	[tilespmem:$0x1F580] =	vst v63  }
0xca: {  	_ =	swait.ge [sflag:s2], $0x2000  }
0xcb: {  	[sflag:s2] =	ssyncset.done $0x0  }
0xcc: {  	s12 =	sadd.s32 $0x5180, s12;
	[sflag:s2] =	ssyncadd.s32 $0xFFFFE000  }
0xcd: {  	[spmem:s3] =	stream.indirect.scatter.add.f32 [tilespmem:s29], [sflag:$0x6], $0x40, s12, s23, $0xb8;
	[tilespmem:$0x1F580] =	vst v63  }
0xce: {  	_ =	swait.ge [sflag:s0], $0x2000  }
.Ltmp3:
0xcf: {  	[sflag:s0] =	ssyncset.done $0x0;
	(pc) =	sbr.rel @p2 .LBB2_8-.Ltmp3, $4  }
0xd0: {  	[sflag:s0] =	ssyncadd.s32 $0xFFFFE000  }
0xd1: {  	[spmem:s4] =	stream.indirect.scatter.add.f32 @!p1 [tilespmem:s16], [sflag:$0x5], $0x10, s12, s15, $0xb8;
	[tilespmem:$0x1F580] =	vst v63  }
0xd2: {  	_ =	swait.ge @!p1 [sflag:s17], $0x800  }
0xd3: {  	s12 =	sshra.s32 s19, $0x2;
	[sflag:s17] =	ssyncset.done @!p1 $0x0  }
0xd4: {  	s9 =	sadd.s32 $0x180, s12;
	[sflag:s17] =	ssyncadd.s32 @!p1 $0xFFFFF800  }
0xd5: {  	[tilespmem:s29], [sflag:$0x1] =	stream.indirect.gather [hbm4b:s1+s23], $0x40, s9, s23, $0xb8;
	[tilespmem:$0x1F580] =	vst v63  }
0xd6: {  	_ =	swait.ge [sflag:s31], $0x2000  }
0xd7: {  	[sflag:s31] =	ssyncset.done $0x0  }
0xd8: {  	s14 =	sadd.s32 $0x5000, s12;
	[sflag:s31] =	ssyncadd.s32 $0xFFFFE000  }
0xd9: {  	[spmem:s3] =	stream.indirect.scatter.add.f32 [tilespmem:s24], [sflag:$0x6], $0x40, s14, s23, $0xb8;
	[tilespmem:$0x1F580] =	vst v63  }
0xda: {  	_ =	swait.ge [sflag:s0], $0x2000  }
0xdb: {  	s10 =	simm.s32 @!p0 $0x80;
	[sflag:s0] =	ssyncset.done $0x0  }
0xdc: {  	s11 =	simm.s32 @!p0 $0x1BE00;
	s9 =	simm.s32 @!p0 $0x6;
	[sflag:s0] =	ssyncadd.s32 $0xFFFFE000  }
0xdd: {  	[spmem:s4] =	stream.indirect.scatter.add.f32 @!p0 [tilespmem:s11], [sflag:$0x6], $0x10, s14, s10, $0xb8;
	[tilespmem:$0x1F580] =	vst v63  }
0xde: {  	_ =	swait.ge @!p0 [sflag:s9], $0x800  }
0xdf: {  	[sflag:s9] =	ssyncset.done @!p0 $0x0  }
0xe0: {  	s20 =	sadd.s32 $0x200, s12;
	[sflag:s9] =	ssyncadd.s32 @!p0 $0xFFFFF800  }
0xe1: {  	[tilespmem:s24], [sflag:$0x2] =	stream.indirect.gather [hbm4b:s1+s23], $0x40, s20, s23, $0xb8;
	[tilespmem:$0x1F580] =	vst v63  }
0xe2: {  	_ =	swait.ge [sflag:s22], $0x2000  }
0xe3: {  	[sflag:s22] =	ssyncset.done $0x0  }
0xe4: {  	s14 =	sadd.s32 $0x5080, s12;
	[sflag:s22] =	ssyncadd.s32 $0xFFFFE000  }
0xe5: {  	[spmem:s3] =	stream.indirect.scatter.add.f32 [tilespmem:s25], [sflag:$0x6], $0x40, s14, s23, $0xb8;
	[tilespmem:$0x1F580] =	vst v63  }
0xe6: {  	_ =	swait.ge [sflag:s0], $0x2000  }
0xe7: {  	s15 =	simm.s32 @!p1 $0x6;
	[sflag:s0] =	ssyncset.done $0x0  }
0xe8: {  	s16 =	simm.s32 @!p1 $0x80;
	s17 =	simm.s32 @!p1 $0x1BE00;
	[sflag:s0] =	ssyncadd.s32 $0xFFFFE000  }
0xe9: {  	[spmem:s4] =	stream.indirect.scatter.add.f32 @!p1 [tilespmem:s17], [sflag:$0x6], $0x10, s14, s16, $0xb8;
	[tilespmem:$0x1F580] =	vst v63  }
0xea: {  	_ =	swait.ge @!p1 [sflag:s15], $0x800  }
0xeb: {  	[sflag:s15] =	ssyncset.done @!p1 $0x0  }
0xec: {  	[sflag:s15] =	ssyncadd.s32 @!p1 $0xFFFFF800;
	s15 =	sadd.s32 $0x280, s12  }
0xed: {  	[tilespmem:s25], [sflag:$0x3] =	stream.indirect.gather [hbm4b:s1+s23], $0x40, s15, s23, $0xb8;
	[tilespmem:$0x1F580] =	vst v63  }
0xee: {  	_ =	swait.ge [sflag:s26], $0x2000  }
0xef: {  	[sflag:s26] =	ssyncset.done $0x0  }
0xf0: {  	s14 =	sadd.s32 $0x5100, s12;
	[sflag:s26] =	ssyncadd.s32 $0xFFFFE000  }
0xf1: {  	[spmem:s3] =	stream.indirect.scatter.add.f32 [tilespmem:s28], [sflag:$0x6], $0x40, s14, s23, $0xb8;
	[tilespmem:$0x1F580] =	vst v63  }
0xf2: {  	_ =	swait.ge [sflag:s0], $0x2000  }
0xf3: {  	[sflag:s0] =	ssyncset.done $0x0  }
0xf4: {  	[sflag:s0] =	ssyncadd.s32 $0xFFFFE000  }
0xf5: {  	[spmem:s4] =	stream.indirect.scatter.add.f32 @!p0 [tilespmem:s11], [sflag:$0x6], $0x10, s14, s10, $0xb8;
	[tilespmem:$0x1F580] =	vst v63  }
0xf6: {  	_ =	swait.ge @!p0 [sflag:s9], $0x800  }
0xf7: {  	[sflag:s9] =	ssyncset.done @!p0 $0x0  }
0xf8: {  	s18 =	sadd.s32 $0x300, s12;
	[sflag:s9] =	ssyncadd.s32 @!p0 $0xFFFFF800  }
0xf9: {  	[tilespmem:s28], [sflag:$0x4] =	stream.indirect.gather [hbm4b:s1+s23], $0x40, s18, s23, $0xb8;
	[tilespmem:$0x1F580] =	vst v63  }
0xfa: {  	_ =	swait.ge [sflag:s2], $0x2000  }
0xfb: {  	[sflag:s2] =	ssyncset.done $0x0  }
0xfc: {  	s12 =	sadd.s32 $0x5180, s12;
	[sflag:s2] =	ssyncadd.s32 $0xFFFFE000  }
0xfd: {  	[spmem:s3] =	stream.indirect.scatter.add.f32 [tilespmem:s29], [sflag:$0x6], $0x40, s12, s23, $0xb8;
	[tilespmem:$0x1F580] =	vst v63  }
0xfe: {  	_ =	swait.ge [sflag:s0], $0x2000  }
0xff: {  	[sflag:s0] =	ssyncset.done $0x0  }
0x100: {  	s14 =	simm.s32 @!p1 $0x5;
	[sflag:s0] =	ssyncadd.s32 $0xFFFFE000  }
0x101: {  	[spmem:s4] =	stream.indirect.scatter.add.f32 @!p1 [tilespmem:s17], [sflag:$0x5], $0x10, s12, s16, $0xb8;
	[tilespmem:$0x1F580] =	vst v63  }
0x102: {  	_ =	swait.ge @!p1 [sflag:s14], $0x800  }
0x103: {  	[sflag:s14] =	ssyncset.done @!p1 $0x0  }
0x104: {  	s19 =	simm.s32 $0x4F80;
	[sflag:s14] =	ssyncadd.s32 @!p1 $0xFFFFF800  }
0x105: {  	[tilespmem:s29], [sflag:$0x1] =	stream.indirect.gather [hbm4b:s1+s23], $0x40, s19, s23, $0xb8;
	[tilespmem:$0x1F580] =	vst v63  }
0x106: {  	_ =	swait.ge [sflag:s31], $0x2000  }
0x107: {  	[sflag:s31] =	ssyncset.done $0x0  }
0x108: {  	s20 =	simm.s32 $0x9E00;
	[sflag:s31] =	ssyncadd.s32 $0xFFFFE000  }
0x109: {  	[spmem:s3] =	stream.indirect.scatter.add.f32 [tilespmem:s24], [sflag:$0x6], $0x40, s20, s23, $0xb8;
	[tilespmem:$0x1F580] =	vst v63  }
0x10a: {  	_ =	swait.ge [sflag:s0], $0x2000  }
0x10b: {  	[sflag:s0] =	ssyncset.done $0x0  }
0x10c: {  	s12 =	simm.s32 @p0 $0x3;
	[sflag:s0] =	ssyncadd.s32 $0xFFFFE000  }
0x10d: {  	_ =	swait.ge @p0 [sflag:s12], $0x2000  }
0x10e: {  	s15 =	simm.s32 @p0 $0xE000;
	[sflag:s12] =	ssyncset.done @p0 $0x0  }
0x10f: {  	s14 =	simm.s32 @p0 $0x9E80;
	[sflag:s12] =	ssyncadd.s32 @p0 $0xFFFFE000;
	s12 =	simm.s32 @p0 $0x80  }
0x110: {  	[spmem:s3] =	stream.indirect.scatter.add.f32 @p0 [tilespmem:s15], [sflag:$0x6], $0x40, s14, s12, $0xb8;
	[tilespmem:$0x1F580] =	vst v63  }
0x111: {  	s15 =	simm.s32 @p0 $0x6  }
0x112: {  	_ =	swait.ge @p0 [sflag:s15], $0x2000  }
0x113: {  	[sflag:s15] =	ssyncset.done @p0 $0x0  }
0x114: {  	s16 =	simm.s32 @p0 $0x1BE00;
	[sflag:s15] =	ssyncadd.s32 @p0 $0xFFFFE000  }
0x115: {  	[spmem:s4] =	stream.indirect.scatter.add.f32 @p0 [tilespmem:s16], [sflag:$0x6], $0x10, s14, s12, $0xb8;
	[tilespmem:$0x1F580] =	vst v63  }
0x116: {  	_ =	swait.ge @p0 [sflag:s15], $0x800  }
0x117: {  	[sflag:s15] =	ssyncset.done @p0 $0x0  }
0x118: {  	s14 =	simm.s32 @p0 $0x4;
	[sflag:s15] =	ssyncadd.s32 @p0 $0xFFFFF800  }
0x119: {  	_ =	swait.ge @p0 [sflag:s14], $0x2000  }
0x11a: {  	[sflag:s14] =	ssyncset.done @p0 $0x0  }
0x11b: {  	s17 =	simm.s32 @p0 $0x10000;
	[sflag:s14] =	ssyncadd.s32 @p0 $0xFFFFE000;
	s14 =	simm.s32 @p0 $0x9F00  }
0x11c: {  	[spmem:s3] =	stream.indirect.scatter.add.f32 @p0 [tilespmem:s17], [sflag:$0x6], $0x40, s14, s12, $0xb8;
	[tilespmem:$0x1F580] =	vst v63  }
0x11d: {  	_ =	swait.ge @p0 [sflag:s15], $0x2000  }
0x11e: {  	[sflag:s15] =	ssyncset.done @p0 $0x0  }
0x11f: {  	s14 =	simm.s32 @p0 $0x1;
	[sflag:s15] =	ssyncadd.s32 @p0 $0xFFFFE000  }
0x120: {  	_ =	swait.ge @p0 [sflag:s14], $0x2000  }
0x121: {  	[sflag:s14] =	ssyncset.done @p0 $0x0  }
0x122: {  	s17 =	simm.s32 @p0 $0xA000;
	[sflag:s14] =	ssyncadd.s32 @p0 $0xFFFFE000;
	s14 =	simm.s32 @p0 $0x9F80  }
0x123: {  	[spmem:s3] =	stream.indirect.scatter.add.f32 @p0 [tilespmem:s17], [sflag:$0x6], $0x40, s14, s12, $0xb8;
	[tilespmem:$0x1F580] =	vst v63  }
0x124: {  	_ =	swait.ge @p0 [sflag:s15], $0x2000  }
0x125: {  	[sflag:s15] =	ssyncset.done @p0 $0x0  }
0x126: {  	[sflag:s15] =	ssyncadd.s32 @p0 $0xFFFFE000  }
0x127: {  	[spmem:s4] =	stream.indirect.scatter.add.f32 @p0 [tilespmem:s16], [sflag:$0x5], $0x10, s14, s12, $0xb8;
	[tilespmem:$0x1F580] =	vst v63  }
0x128: {  	s12 =	simm.s32 @p0 $0x5  }
0x129: {  	_ =	swait.ge @p0 [sflag:s12], $0x800  }
0x12a: {  	[sflag:s12] =	ssyncset.done @p0 $0x0  }
0x12b: {  	[sflag:s12] =	ssyncadd.s32 @p0 $0xFFFFF800;
	s12 =	simm.s32 @!p0 $0x9E00  }
0x12c: {  	[spmem:s4] =	stream.indirect.scatter.add.f32 @!p0 [tilespmem:s11], [sflag:$0x6], $0x10, s12, s10, $0xb8;
	[tilespmem:$0x1F580] =	vst v63  }
0x12d: {  	_ =	swait.ge @!p0 [sflag:s9], $0x800  }
0x12e: {  	[sflag:s9] =	ssyncset.done @!p0 $0x0  }
0x12f: {  	s12 =	simm.s32 @!p0 $0x3;
	[sflag:s9] =	ssyncadd.s32 @!p0 $0xFFFFF800  }
0x130: {  	_ =	swait.ge @!p0 [sflag:s12], $0x2000  }
0x131: {  	[sflag:s12] =	ssyncset.done @!p0 $0x0  }
0x132: {  	s14 =	simm.s32 @!p0 $0xE000;
	[sflag:s12] =	ssyncadd.s32 @!p0 $0xFFFFE000;
	s12 =	simm.s32 @!p0 $0x9E80  }
0x133: {  	[spmem:s3] =	stream.indirect.scatter.add.f32 @!p0 [tilespmem:s14], [sflag:$0x6], $0x40, s12, s10, $0xb8;
	[tilespmem:$0x1F580] =	vst v63  }
0x134: {  	_ =	swait.ge @!p0 [sflag:s9], $0x2000  }
0x135: {  	[sflag:s9] =	ssyncset.done @!p0 $0x0  }
0x136: {  	s12 =	simm.s32 @!p0 $0x4;
	[sflag:s9] =	ssyncadd.s32 @!p0 $0xFFFFE000  }
0x137: {  	_ =	swait.ge @!p0 [sflag:s12], $0x2000  }
0x138: {  	[sflag:s12] =	ssyncset.done @!p0 $0x0  }
0x139: {  	s14 =	simm.s32 @!p0 $0x10000;
	[sflag:s12] =	ssyncadd.s32 @!p0 $0xFFFFE000;
	s12 =	simm.s32 @!p0 $0x9F00  }
0x13a: {  	[spmem:s3] =	stream.indirect.scatter.add.f32 @!p0 [tilespmem:s14], [sflag:$0x6], $0x40, s12, s10, $0xb8;
	[tilespmem:$0x1F580] =	vst v63  }
0x13b: {  	_ =	swait.ge @!p0 [sflag:s9], $0x2000  }
0x13c: {  	[sflag:s9] =	ssyncset.done @!p0 $0x0  }
0x13d: {  	[sflag:s9] =	ssyncadd.s32 @!p0 $0xFFFFE000  }
0x13e: {  	[spmem:s4] =	stream.indirect.scatter.add.f32 @!p0 [tilespmem:s11], [sflag:$0x6], $0x10, s12, s10, $0xb8;
	[tilespmem:$0x1F580] =	vst v63  }
0x13f: {  	_ =	swait.ge @!p0 [sflag:s9], $0x800  }
0x140: {  	[sflag:s9] =	ssyncset.done @!p0 $0x0  }
0x141: {  	s11 =	simm.s32 @!p0 $0x1;
	[sflag:s9] =	ssyncadd.s32 @!p0 $0xFFFFF800  }
0x142: {  	_ =	swait.ge @!p0 [sflag:s11], $0x2000  }
0x143: {  	[sflag:s11] =	ssyncset.done @!p0 $0x0  }
0x144: {  	s12 =	simm.s32 @!p0 $0xA000;
	[sflag:s11] =	ssyncadd.s32 @!p0 $0xFFFFE000;
	s11 =	simm.s32 @!p0 $0x9F80  }
0x145: {  	[spmem:s3] =	stream.indirect.scatter.add.f32 @!p0 [tilespmem:s12], [sflag:$0x6], $0x40, s11, s10, $0xb8;
	[tilespmem:$0x1F580] =	vst v63  }
0x146: {  	_ =	swait.ge @!p0 [sflag:s9], $0x2000  }
0x147: {  	[sflag:s9] =	ssyncset.done @!p0 $0x0  }
0x148: {  	s14 =	stileid.u32;
	[sflag:s9] =	ssyncadd.s32 @!p0 $0xFFFFE000  }
0x149: {  	s17 =	simm.s32 $0x8;
	s9 =	sshll.u32 s14, $0x6;
	[bflag:$0x0] =	sbarrier.arrive $0xFFFF  }
0x14a: {  	s15 =	sshrl.u32 s8, $0x3;
	s9 =	sor.u32 $0x1C05, s9;
	s16 =	rddreg [dreg:$0xf]  }
0x14b: {  	[hbm:s16@s6], [sflag:s9] =	dma.strided [spmem:s15@s17], $0x13C0, s2, $0x8   }
0x14c: {  	_ =	swait.ge [sflag:s21], $0x13C0  }
0x14d: {  	[sflag:s21] =	ssyncset.done $0x0  }
0x14e: {  	s18 =	sshrl.u32 s13, $0x3;
	s19 =	rddreg [dreg:$0x10];
	[sflag:s21] =	ssyncadd.s32 $0xFFFFEC40  }
0x14f: {  	[hbm:s19@s6], [sflag:s9] =	dma.strided [spmem:s18@s31], $0x4F0, s2, $0x2   }
0x150: {  	_ =	swait.ge [sflag:s21], $0x4F0  }
0x151: {  	s7 =	sadd.s32 $0x1, s7;
	s20 =	rddreg [dreg:$0x11]  }
0x152: {  	p2 =	sne.s32 s7, s20  }
.Ltmp4:
0x153: {  	_ = 	snop;
	(pc) =	sbr.rel @p2 .LBB2_1-.Ltmp4, $3  }
0x154: {  	_ =	sdelay $0x1  }
0x155: {  	[sflag:s21] =	ssyncset.done $0x0  }
0x156: {  	[sflag:s21] =	ssyncadd.s32 $0xFFFFFB10  }
0x157: {  	_ =	sfence.sel $0x180000  }
0x158: {  	[bflag:$0x0] =	sbarrier.arrive $0xFFFF  }
0x159: {  	_ =	strace $0x90000047  }
0x15a: {  	s0 =	stileid.u32;
	[bflag:$0x2] =	sbarrier.arrive $0xFFFF  }
0x15b: {  	p0 =	sne.s32 s0, $0x0;
	s0 =	rddreg [dreg:$0x4]  }
0x15c: {  	s0 =	sadd.s32 @!p0 $0x100000, s0  }
0x15d: {  	[sflag:s0] =	ssyncadd.tile.s32 @!p0 $0x1;
	_ =	shalt  }
.Lfunc_end2:
_tile_overlayer_lowered:
.L_overlay_start_2:
0x15e: {  	(tag) =	ssettag $0x2  }
0x15f: {  	s0 =	rddreg [dreg:$0x0];
	s2 =	stileid.u32  }
0x160: {  	s1 =	rddreg [dreg:$0x1];
	p0 =	sne.s32 s2, $0x0  }
0x161: {  	s3 =	rddreg [dreg:$0x2];
	[bflag:$0x3] =	sbarrier.arrive $0xFFFF;
	s2 =	simm.s32 @!p0 $0x1C05  }
0x162: {  	[timem:s3], [sflag:s2] =	dma.local @!p0 [hbm:s0], s1  }
0x163: {  	s0 =	simm.s32 @!p0 $0x5  }
0x164: {  	_ =	swait.ge @!p0 [sflag:s0], s1  }
0x165: {  	s1 =	ssub.s32 @!p0 $0x0, s1;
	[sflag:s0] =	ssyncset.done @!p0 $0x0  }
0x166: {  	[sflag:s0] =	ssyncadd.s32 @!p0 s1  }
0x167: {  	[bflag:$0x3] =	sbarrier.arrive $0xFFFF  }
0x168: {  	_ =	shalt  }

</sc_bundles>
